<compile_context>
chip_gen: v7x
topology: tpu7x:2x2x1
jax: 0.10.2.dev20260603
libtpu: 0.0.44.dev20260713+nightly
codegen_flags: <defaults>
</compile_context>

<pallas_src>
import functools
import math

import jax
import jax.numpy as jnp
from jax import lax
from jax.experimental import pallas as pl
from jax.experimental.pallas import tpu as pltpu
from jax.experimental.pallas import tpu_sc as plsc

D_MODEL = 64
LANES = 16
NUM_CORES = 2
NUM_SUBCORES = 16
NUM_WORKERS = NUM_CORES * NUM_SUBCORES
SCALE = math.sqrt(D_MODEL)

BBLK = 128
PITCH = BBLK + 1
NBUF = 2


def _emb_body(seq_len, idx_hbm, table_hbm, out_hbm,
              idx_v, in0, in1, st0, st1, gs0, gs1, ss0, ss1):
    wid = lax.axis_index("s") * NUM_CORES + lax.axis_index("c")

    ins = (in0, in1)
    stages = (st0, st1)
    gsems = (gs0, gs1)
    ssems = (ss0, ss1)

    pltpu.sync_copy(idx_hbm.at[wid], idx_v)

    def gather_desc(s, b):
        return pltpu.make_async_copy(
            table_hbm.at[idx_v.at[s]], ins[b], gsems[b])

    def store_desc(s, b):
        return pltpu.make_async_copy(
            stages[b].at[:, :, pl.ds(0, BBLK)], out_hbm.at[s, :, wid],
            ssems[b])

    for b in range(NBUF):
        gather_desc(b, b).start()

    iota = lax.iota(jnp.int32, LANES)
    cgs = [(iota + 16 * j) >> 3 for j in range(D_MODEL // LANES)]
    c8s = [(iota + 16 * j) & 7 for j in range(D_MODEL // LANES)]

    def outer(s0, _):
        for b in range(NBUF):
            s = s0 * NBUF + b
            inb, stb = ins[b], stages[b]
            gather_desc(s, b).wait()

            @pl.when(s >= NBUF)
            def _():
                store_desc(s - NBUF, b).wait()

            @plsc.parallel_loop(0, BBLK, step=1, unroll=8)
            def row_body(l):
                lane_l = jnp.full((LANES,), l, jnp.int32)
                for j in range(D_MODEL // LANES):
                    v = inb[l, pl.ds(j * LANES, LANES)] * SCALE
                    plsc.store_scatter(stb, [cgs[j], c8s[j], lane_l], v)

            @pl.when(s + NBUF < seq_len)
            def _():
                gather_desc(s + NBUF, b).start()
            store_desc(s, b).start()
        return ()

    lax.fori_loop(0, seq_len // NBUF, outer, ())

    for b in range(NBUF):
        store_desc(seq_len - NBUF + b, b).wait()


@functools.partial(jax.jit, static_argnames=("seq_len",))
def _emb_call(idx, table, seq_len):
    mesh = plsc.VectorSubcoreMesh(core_axis_name="c", subcore_axis_name="s")
    return pl.kernel(
        functools.partial(_emb_body, seq_len),
        mesh=mesh,
        out_type=jax.ShapeDtypeStruct(
            (seq_len, D_MODEL // 8, NUM_WORKERS, 8, BBLK), jnp.float32),
        scratch_types=[
            pltpu.VMEM((seq_len, BBLK), jnp.int32),
            pltpu.VMEM((BBLK, D_MODEL), jnp.float32),
            pltpu.VMEM((BBLK, D_MODEL), jnp.float32),
            pltpu.VMEM((D_MODEL // 8, 8, PITCH), jnp.float32),
            pltpu.VMEM((D_MODEL // 8, 8, PITCH), jnp.float32),
            pltpu.SemaphoreType.DMA,
            pltpu.SemaphoreType.DMA,
            pltpu.SemaphoreType.DMA,
            pltpu.SemaphoreType.DMA,
        ],
        compiler_params=pltpu.CompilerParams(use_tc_tiling_on_sc=False,
                                             needs_layout_passes=False),
    )(idx, table)


def kernel(x, table):
    bsz, seq_len = x.shape
    idx = x.reshape(NUM_WORKERS, BBLK, seq_len).transpose(0, 2, 1)
    out5 = _emb_call(idx, table, seq_len)
    return out5.transpose(2, 4, 0, 1, 3).reshape(bsz, seq_len, D_MODEL)

# --- scband reference (transcript-rebuilt; emitter-appended) ---
"""Pipeline reference for scband-embeddings-39728447488163 (READ-ONLY COPY).

The authoritative reference and input builder live on the scoring server;
editing this copy changes nothing except your own understanding.
"""

import jax, jax.numpy as jnp
import numpy as np
import math

D_MODEL = 64
VOCAB_SIZE = 1000000

def setup_inputs(seed: int = 0) -> dict:
    key = jax.random.key(seed)
    k1, k2 = jax.random.split(key)
    x = jax.random.randint(k1, (4096, 200), 0, VOCAB_SIZE, dtype=jnp.int64 if jax.config.jax_enable_x64 else jnp.int32)
    table = jax.random.normal(k2, (VOCAB_SIZE, D_MODEL), dtype=jnp.float32)
    return {"x": x, "table": table}

def reference(x, table):
    # Embedding lookup followed by scaling by sqrt(d_model)
    emb = jnp.take(table, x, axis=0)
    return emb * math.sqrt(D_MODEL)

if __name__ == "__main__":
    import jax
    _d = setup_inputs()
    print(jax.jit(kernel)(*tuple(_d.values())))

</pallas_src>

<mosaic_0001>
#map = affine_map<(d0, d1) -> (0, 0, 0)>
#map1 = affine_map<(d0, d1) -> (0, 0)>
#map2 = affine_map<(d0, d1) -> (0, 0, 0, 0, 0)>
module attributes {stable_mosaic.version = 14 : i64} {
  func.func @_emb_body(%arg0: i32, %arg1: i32, %arg2: memref<32x200x128xi32, #tpu.memory_space<hbm>>, %arg3: memref<1000000x64xf32, #tpu.memory_space<hbm>>, %arg4: memref<200x8x32x8x128xf32, #tpu.memory_space<hbm>>, %arg5: memref<200x128xi32, #tpu.memory_space<vmem>>, %arg6: memref<128x64xf32, #tpu.memory_space<vmem>>, %arg7: memref<128x64xf32, #tpu.memory_space<vmem>>, %arg8: memref<8x8x129xf32, #tpu.memory_space<vmem>>, %arg9: memref<8x8x129xf32, #tpu.memory_space<vmem>>, %arg10: memref<!tpu.dma_semaphore, #tpu.memory_space<semaphore_mem>>, %arg11: memref<!tpu.dma_semaphore, #tpu.memory_space<semaphore_mem>>, %arg12: memref<!tpu.dma_semaphore, #tpu.memory_space<semaphore_mem>>, %arg13: memref<!tpu.dma_semaphore, #tpu.memory_space<semaphore_mem>>) attributes {dimension_semantics = [#tpu.dimension_semantics<core_parallel>, #tpu.dimension_semantics<subcore_parallel>], iteration_bounds = array<i64: 2, 16>, scalar_prefetch = 0 : i64, scratch_operands = 9 : i64, tpu.core_type = #tpu.core_type<sc_vector_subcore>, window_params = [{transform_indices = #map}, {transform_indices = #map1}, {transform_indices = #map2}]} {
    %mul3A = arith.constant 2 : i32
    %mul3A_0 = arith.muli %arg1, %mul3A : i32
    %add3A = arith.addi %mul3A_0, %arg0 : i32
    "tpu.region"() ({
      %run_scoped3A = tpu.sem_alloc : memref<!tpu.dma_semaphore, #tpu.memory_space<semaphore_mem>>
      %dma_start3A_101 = arith.constant 0 : i32
      %dma_start3A_102 = arith.constant 0 : i32
      %dma_start3A_103 = tpu.memref_slice %arg2[%add3A, %dma_start3A_101, %dma_start3A_102] : memref<32x200x128xi32, #tpu.memory_space<hbm>> -> memref<1x200x128xi32, #tpu.memory_space<hbm>>
      %dma_start3A_104 = tpu.memref_squeeze %dma_start3A_103 : memref<1x200x128xi32, #tpu.memory_space<hbm>> -> memref<200x128xi32, #tpu.memory_space<hbm>>
      %dma_start3A_105 = arith.constant 0 : i32
      %dma_start3A_106 = arith.constant 0 : i32
      %dma_start3A_107 = tpu.memref_slice %arg2[%add3A, %dma_start3A_105, %dma_start3A_106] : memref<32x200x128xi32, #tpu.memory_space<hbm>> -> memref<1x200x128xi32, #tpu.memory_space<hbm>>
      %dma_start3A_108 = tpu.memref_squeeze %dma_start3A_107 : memref<1x200x128xi32, #tpu.memory_space<hbm>> -> memref<200x128xi32, #tpu.memory_space<hbm>>
      tpu.enqueue_dma source(%dma_start3A_108 : memref<200x128xi32, #tpu.memory_space<hbm>>) target(%arg5 : memref<200x128xi32, #tpu.memory_space<vmem>>) target_semaphore(%run_scoped3A : memref<!tpu.dma_semaphore, #tpu.memory_space<semaphore_mem>>)
      %dma_wait3A_109 = arith.constant 0 : i32
      %dma_wait3A_110 = arith.constant 0 : i32
      %dma_wait3A_111 = tpu.memref_slice %arg2[%add3A, %dma_wait3A_109, %dma_wait3A_110] : memref<32x200x128xi32, #tpu.memory_space<hbm>> -> memref<1x200x128xi32, #tpu.memory_space<hbm>>
      %dma_wait3A_112 = tpu.memref_squeeze %dma_wait3A_111 : memref<1x200x128xi32, #tpu.memory_space<hbm>> -> memref<200x128xi32, #tpu.memory_space<hbm>>
      %dma_wait3A_113 = arith.constant 0 : i32
      %dma_wait3A_114 = arith.constant 0 : i32
      %dma_wait3A_115 = tpu.memref_slice %arg2[%add3A, %dma_wait3A_113, %dma_wait3A_114] : memref<32x200x128xi32, #tpu.memory_space<hbm>> -> memref<1x200x128xi32, #tpu.memory_space<hbm>>
      %dma_wait3A_116 = tpu.memref_squeeze %dma_wait3A_115 : memref<1x200x128xi32, #tpu.memory_space<hbm>> -> memref<200x128xi32, #tpu.memory_space<hbm>>
      tpu.wait_dma2 semaphore(%run_scoped3A : memref<!tpu.dma_semaphore, #tpu.memory_space<semaphore_mem>>) src(%dma_wait3A_116 : memref<200x128xi32, #tpu.memory_space<hbm>>) dst(%arg5 : memref<200x128xi32, #tpu.memory_space<vmem>>)
      tpu.yield
    }) : () -> ()
    %dma_start3A = arith.constant 0 : i32
    %dma_start3A_1 = arith.constant 0 : i32
    %dma_start3A_2 = tpu.memref_slice %arg5[%dma_start3A, %dma_start3A_1] : memref<200x128xi32, #tpu.memory_space<vmem>> -> memref<1x128xi32, #tpu.memory_space<vmem>>
    %dma_start3A_3 = tpu.memref_squeeze %dma_start3A_2 : memref<1x128xi32, #tpu.memory_space<vmem>> -> memref<128xi32, #tpu.memory_space<vmem>>
    %dma_start3A_4 = arith.constant 0 : i32
    %dma_start3A_5 = arith.constant 0 : i32
    %dma_start3A_6 = tpu.memref_slice %arg3[%dma_start3A_4, %dma_start3A_5] : memref<1000000x64xf32, #tpu.memory_space<hbm>> -> memref<1000000x64xf32, #tpu.memory_space<hbm>>
    tpu.enqueue_indirect_dma source(%dma_start3A_6 : memref<1000000x64xf32, #tpu.memory_space<hbm>>) target(%arg6 : memref<128x64xf32, #tpu.memory_space<vmem>>) offsets(%dma_start3A_3 : memref<128xi32, #tpu.memory_space<vmem>>) semaphore(%arg10 : memref<!tpu.dma_semaphore, #tpu.memory_space<semaphore_mem>>)
    %dma_start3A_7 = arith.constant 1 : i32
    %dma_start3A_8 = arith.constant 0 : i32
    %dma_start3A_9 = tpu.memref_slice %arg5[%dma_start3A_7, %dma_start3A_8] : memref<200x128xi32, #tpu.memory_space<vmem>> -> memref<1x128xi32, #tpu.memory_space<vmem>>
    %dma_start3A_10 = tpu.memref_squeeze %dma_start3A_9 : memref<1x128xi32, #tpu.memory_space<vmem>> -> memref<128xi32, #tpu.memory_space<vmem>>
    %dma_start3A_11 = arith.constant 0 : i32
    %dma_start3A_12 = arith.constant 0 : i32
    %dma_start3A_13 = tpu.memref_slice %arg3[%dma_start3A_11, %dma_start3A_12] : memref<1000000x64xf32, #tpu.memory_space<hbm>> -> memref<1000000x64xf32, #tpu.memory_space<hbm>>
    tpu.enqueue_indirect_dma source(%dma_start3A_13 : memref<1000000x64xf32, #tpu.memory_space<hbm>>) target(%arg7 : memref<128x64xf32, #tpu.memory_space<vmem>>) offsets(%dma_start3A_10 : memref<128xi32, #tpu.memory_space<vmem>>) semaphore(%arg11 : memref<!tpu.dma_semaphore, #tpu.memory_space<semaphore_mem>>)
    %iota3A = tpu.iota {dimensions = array<i32: 0>} : vector<16xi32>
    %add3A_14 = arith.constant 0 : i32
    %add3A_15 = vector.broadcast %add3A_14 : i32 to vector<16xi32>
    %add3A_16 = arith.addi %iota3A, %add3A_15 : vector<16xi32>
    %shift_right_arithmetic3A = arith.constant 3 : i32
    %shift_right_arithmetic3A_17 = vector.broadcast %shift_right_arithmetic3A : i32 to vector<16xi32>
    %shift_right_arithmetic3A_18 = arith.shrsi %add3A_16, %shift_right_arithmetic3A_17 : vector<16xi32>
    %add3A_19 = arith.constant 16 : i32
    %add3A_20 = vector.broadcast %add3A_19 : i32 to vector<16xi32>
    %add3A_21 = arith.addi %iota3A, %add3A_20 : vector<16xi32>
    %shift_right_arithmetic3A_22 = arith.constant 3 : i32
    %shift_right_arithmetic3A_23 = vector.broadcast %shift_right_arithmetic3A_22 : i32 to vector<16xi32>
    %shift_right_arithmetic3A_24 = arith.shrsi %add3A_21, %shift_right_arithmetic3A_23 : vector<16xi32>
    %add3A_25 = arith.constant 32 : i32
    %add3A_26 = vector.broadcast %add3A_25 : i32 to vector<16xi32>
    %add3A_27 = arith.addi %iota3A, %add3A_26 : vector<16xi32>
    %shift_right_arithmetic3A_28 = arith.constant 3 : i32
    %shift_right_arithmetic3A_29 = vector.broadcast %shift_right_arithmetic3A_28 : i32 to vector<16xi32>
    %shift_right_arithmetic3A_30 = arith.shrsi %add3A_27, %shift_right_arithmetic3A_29 : vector<16xi32>
    %add3A_31 = arith.constant 48 : i32
    %add3A_32 = vector.broadcast %add3A_31 : i32 to vector<16xi32>
    %add3A_33 = arith.addi %iota3A, %add3A_32 : vector<16xi32>
    %shift_right_arithmetic3A_34 = arith.constant 3 : i32
    %shift_right_arithmetic3A_35 = vector.broadcast %shift_right_arithmetic3A_34 : i32 to vector<16xi32>
    %shift_right_arithmetic3A_36 = arith.shrsi %add3A_33, %shift_right_arithmetic3A_35 : vector<16xi32>
    %add3A_37 = arith.constant 0 : i32
    %add3A_38 = vector.broadcast %add3A_37 : i32 to vector<16xi32>
    %add3A_39 = arith.addi %iota3A, %add3A_38 : vector<16xi32>
    %and3A = arith.constant 7 : i32
    %and3A_40 = vector.broadcast %and3A : i32 to vector<16xi32>
    %and3A_41 = arith.andi %add3A_39, %and3A_40 : vector<16xi32>
    %add3A_42 = arith.constant 16 : i32
    %add3A_43 = vector.broadcast %add3A_42 : i32 to vector<16xi32>
    %add3A_44 = arith.addi %iota3A, %add3A_43 : vector<16xi32>
    %and3A_45 = arith.constant 7 : i32
    %and3A_46 = vector.broadcast %and3A_45 : i32 to vector<16xi32>
    %and3A_47 = arith.andi %add3A_44, %and3A_46 : vector<16xi32>
    %add3A_48 = arith.constant 32 : i32
    %add3A_49 = vector.broadcast %add3A_48 : i32 to vector<16xi32>
    %add3A_50 = arith.addi %iota3A, %add3A_49 : vector<16xi32>
    %and3A_51 = arith.constant 7 : i32
    %and3A_52 = vector.broadcast %and3A_51 : i32 to vector<16xi32>
    %and3A_53 = arith.andi %add3A_50, %and3A_52 : vector<16xi32>
    %add3A_54 = arith.constant 48 : i32
    %add3A_55 = vector.broadcast %add3A_54 : i32 to vector<16xi32>
    %add3A_56 = arith.addi %iota3A, %add3A_55 : vector<16xi32>
    %and3A_57 = arith.constant 7 : i32
    %and3A_58 = vector.broadcast %and3A_57 : i32 to vector<16xi32>
    %and3A_59 = arith.andi %add3A_56, %and3A_58 : vector<16xi32>
    %scan3A = arith.constant 0 : i32
    %scan3A_60 = arith.constant 100 : i32
    %scan3A_61 = arith.addi %scan3A, %scan3A_60 : i32
    %scan3A_62 = arith.constant 1 : i32
    scf.for %scan3A_101 = %scan3A to %scan3A_61 step %scan3A_62  : i32 {
      %mul3A_102 = arith.constant 2 : i32
      %mul3A_103 = arith.muli %scan3A_101, %mul3A_102 : i32
      %add3A_104 = arith.constant 0 : i32
      %add3A_105 = arith.addi %mul3A_103, %add3A_104 : i32
      %dma_wait3A_106 = arith.constant 0 : i32
      %dma_wait3A_107 = tpu.memref_slice %arg5[%add3A_105, %dma_wait3A_106] : memref<200x128xi32, #tpu.memory_space<vmem>> -> memref<1x128xi32, #tpu.memory_space<vmem>>
      %dma_wait3A_108 = tpu.memref_squeeze %dma_wait3A_107 : memref<1x128xi32, #tpu.memory_space<vmem>> -> memref<128xi32, #tpu.memory_space<vmem>>
      %dma_wait3A_109 = arith.constant 0 : i32
      %dma_wait3A_110 = arith.constant 0 : i32
      %dma_wait3A_111 = tpu.memref_slice %arg3[%dma_wait3A_109, %dma_wait3A_110] : memref<1000000x64xf32, #tpu.memory_space<hbm>> -> memref<1000000x64xf32, #tpu.memory_space<hbm>>
      tpu.wait_indirect_dma semaphore(%arg10 : memref<!tpu.dma_semaphore, #tpu.memory_space<semaphore_mem>>) src(%dma_wait3A_111 : memref<1000000x64xf32, #tpu.memory_space<hbm>>) dst(%arg6 : memref<128x64xf32, #tpu.memory_space<vmem>>)
      %ge3A = arith.constant 2 : i32
      %ge3A_112 = arith.cmpi sge, %add3A_105, %ge3A : i32
      %convert_element_type3A = arith.extui %ge3A_112 : i1 to i32
      %cond3A = arith.constant 0 : i32
      %cond3A_113 = arith.cmpi ne, %convert_element_type3A, %cond3A : i32
      scf.if %cond3A_113 {
        %sub3A = arith.constant 2 : i32
        %sub3A_183 = arith.subi %add3A_105, %sub3A : i32
        %dma_wait3A_184 = arith.constant 0 : i32
        %dma_wait3A_185 = arith.constant 0 : i32
        %dma_wait3A_186 = arith.constant 0 : i32
        %dma_wait3A_187 = tpu.memref_slice %arg8[%dma_wait3A_184, %dma_wait3A_185, %dma_wait3A_186] : memref<8x8x129xf32, #tpu.memory_space<vmem>> -> memref<8x8x128xf32, #tpu.memory_space<vmem>>
        %dma_wait3A_188 = arith.constant 0 : i32
        %dma_wait3A_189 = arith.constant 0 : i32
        %dma_wait3A_190 = arith.constant 0 : i32
        %dma_wait3A_191 = tpu.memref_slice %arg4[%sub3A_183, %dma_wait3A_188, %add3A, %dma_wait3A_189, %dma_wait3A_190] : memref<200x8x32x8x128xf32, #tpu.memory_space<hbm>> -> memref<1x8x1x8x128xf32, #tpu.memory_space<hbm>>
        %dma_wait3A_192 = tpu.memref_squeeze %dma_wait3A_191 : memref<1x8x1x8x128xf32, #tpu.memory_space<hbm>> -> memref<8x8x128xf32, #tpu.memory_space<hbm>>
        %dma_wait3A_193 = arith.constant 0 : i32
        %dma_wait3A_194 = arith.constant 0 : i32
        %dma_wait3A_195 = arith.constant 0 : i32
        %dma_wait3A_196 = tpu.memref_slice %arg4[%sub3A_183, %dma_wait3A_193, %add3A, %dma_wait3A_194, %dma_wait3A_195] : memref<200x8x32x8x128xf32, #tpu.memory_space<hbm>> -> memref<1x8x1x8x128xf32, #tpu.memory_space<hbm>>
        %dma_wait3A_197 = tpu.memref_squeeze %dma_wait3A_196 : memref<1x8x1x8x128xf32, #tpu.memory_space<hbm>> -> memref<8x8x128xf32, #tpu.memory_space<hbm>>
        %dma_wait3A_198 = arith.constant 0 : i32
        %dma_wait3A_199 = arith.constant 0 : i32
        %dma_wait3A_200 = arith.constant 0 : i32
        %dma_wait3A_201 = tpu.memref_slice %arg8[%dma_wait3A_198, %dma_wait3A_199, %dma_wait3A_200] : memref<8x8x129xf32, #tpu.memory_space<vmem>> -> memref<8x8x128xf32, #tpu.memory_space<vmem>>
        tpu.wait_dma2 semaphore(%arg12 : memref<!tpu.dma_semaphore, #tpu.memory_space<semaphore_mem>>) src(%dma_wait3A_201 : memref<8x8x128xf32, #tpu.memory_space<vmem>>) dst(%dma_wait3A_197 : memref<8x8x128xf32, #tpu.memory_space<hbm>>)
      } else {
      }
      %parallel_loop3A = arith.constant 0 : i32
      %parallel_loop3A_114 = arith.constant 128 : i32
      %parallel_loop3A_115 = arith.constant 1 : i32
      scf.for %parallel_loop3A_183 = %parallel_loop3A to %parallel_loop3A_114 step %parallel_loop3A_115  : i32 {
        %parallel_loop3A_184 = vector.broadcast %parallel_loop3A_183 : i32 to vector<16xi32>
        %parallel_loop3A_185 = arith.index_cast %parallel_loop3A_183 : i32 to index
        %parallel_loop3A_186 = arith.constant 0 : index
        %parallel_loop3A_187 = tpu.vector_load %arg6[%parallel_loop3A_185, %parallel_loop3A_186] {strides = array<i32>} : memref<128x64xf32, #tpu.memory_space<vmem>>, vector<16xf32>,
        %parallel_loop3A_188 = arith.constant 8.000000e+00 : f32
        %parallel_loop3A_189 = vector.broadcast %parallel_loop3A_188 : f32 to vector<16xf32>
        %parallel_loop3A_190 = arith.mulf %parallel_loop3A_187, %parallel_loop3A_189 : vector<16xf32>
        tpu.vector_store_idx %arg8[%shift_right_arithmetic3A_18, %and3A_41, %parallel_loop3A_184], %parallel_loop3A_190 : memref<8x8x129xf32, #tpu.memory_space<vmem>>[vector<16xi32>, vector<16xi32>, vector<16xi32>], vector<16xf32>,
        %parallel_loop3A_191 = arith.index_cast %parallel_loop3A_183 : i32 to index
        %parallel_loop3A_192 = arith.constant 16 : index
        %parallel_loop3A_193 = tpu.vector_load %arg6[%parallel_loop3A_191, %parallel_loop3A_192] {strides = array<i32>} : memref<128x64xf32, #tpu.memory_space<vmem>>, vector<16xf32>,
        %parallel_loop3A_194 = arith.constant 8.000000e+00 : f32
        %parallel_loop3A_195 = vector.broadcast %parallel_loop3A_194 : f32 to vector<16xf32>
        %parallel_loop3A_196 = arith.mulf %parallel_loop3A_193, %parallel_loop3A_195 : vector<16xf32>
        tpu.vector_store_idx %arg8[%shift_right_arithmetic3A_24, %and3A_47, %parallel_loop3A_184], %parallel_loop3A_196 : memref<8x8x129xf32, #tpu.memory_space<vmem>>[vector<16xi32>, vector<16xi32>, vector<16xi32>], vector<16xf32>,
        %parallel_loop3A_197 = arith.index_cast %parallel_loop3A_183 : i32 to index
        %parallel_loop3A_198 = arith.constant 32 : index
        %parallel_loop3A_199 = tpu.vector_load %arg6[%parallel_loop3A_197, %parallel_loop3A_198] {strides = array<i32>} : memref<128x64xf32, #tpu.memory_space<vmem>>, vector<16xf32>,
        %parallel_loop3A_200 = arith.constant 8.000000e+00 : f32
        %parallel_loop3A_201 = vector.broadcast %parallel_loop3A_200 : f32 to vector<16xf32>
        %parallel_loop3A_202 = arith.mulf %parallel_loop3A_199, %parallel_loop3A_201 : vector<16xf32>
        tpu.vector_store_idx %arg8[%shift_right_arithmetic3A_30, %and3A_53, %parallel_loop3A_184], %parallel_loop3A_202 : memref<8x8x129xf32, #tpu.memory_space<vmem>>[vector<16xi32>, vector<16xi32>, vector<16xi32>], vector<16xf32>,
        %parallel_loop3A_203 = arith.index_cast %parallel_loop3A_183 : i32 to index
        %parallel_loop3A_204 = arith.constant 48 : index
        %parallel_loop3A_205 = tpu.vector_load %arg6[%parallel_loop3A_203, %parallel_loop3A_204] {strides = array<i32>} : memref<128x64xf32, #tpu.memory_space<vmem>>, vector<16xf32>,
        %parallel_loop3A_206 = arith.constant 8.000000e+00 : f32
        %parallel_loop3A_207 = vector.broadcast %parallel_loop3A_206 : f32 to vector<16xf32>
        %parallel_loop3A_208 = arith.mulf %parallel_loop3A_205, %parallel_loop3A_207 : vector<16xf32>
        tpu.vector_store_idx %arg8[%shift_right_arithmetic3A_36, %and3A_59, %parallel_loop3A_184], %parallel_loop3A_208 : memref<8x8x129xf32, #tpu.memory_space<vmem>>[vector<16xi32>, vector<16xi32>, vector<16xi32>], vector<16xf32>,
      } {sc.loop_unroll_factor = 8 : i64, sc.parallel_access}
      %add3A_116 = arith.constant 2 : i32
      %add3A_117 = arith.addi %add3A_105, %add3A_116 : i32
      %lt3A = arith.constant 200 : i32
      %lt3A_118 = arith.cmpi slt, %add3A_117, %lt3A : i32
      %convert_element_type3A_119 = arith.extui %lt3A_118 : i1 to i32
      %cond3A_120 = arith.constant 0 : i32
      %cond3A_121 = arith.cmpi ne, %convert_element_type3A_119, %cond3A_120 : i32
      scf.if %cond3A_121 {
        %add3A_183 = arith.constant 2 : i32
        %add3A_184 = arith.addi %add3A_105, %add3A_183 : i32
        %dma_start3A_185 = arith.constant 0 : i32
        %dma_start3A_186 = tpu.memref_slice %arg5[%add3A_184, %dma_start3A_185] : memref<200x128xi32, #tpu.memory_space<vmem>> -> memref<1x128xi32, #tpu.memory_space<vmem>>
        %dma_start3A_187 = tpu.memref_squeeze %dma_start3A_186 : memref<1x128xi32, #tpu.memory_space<vmem>> -> memref<128xi32, #tpu.memory_space<vmem>>
        %dma_start3A_188 = arith.constant 0 : i32
        %dma_start3A_189 = arith.constant 0 : i32
        %dma_start3A_190 = tpu.memref_slice %arg3[%dma_start3A_188, %dma_start3A_189] : memref<1000000x64xf32, #tpu.memory_space<hbm>> -> memref<1000000x64xf32, #tpu.memory_space<hbm>>
        tpu.enqueue_indirect_dma source(%dma_start3A_190 : memref<1000000x64xf32, #tpu.memory_space<hbm>>) target(%arg6 : memref<128x64xf32, #tpu.memory_space<vmem>>) offsets(%dma_start3A_187 : memref<128xi32, #tpu.memory_space<vmem>>) semaphore(%arg10 : memref<!tpu.dma_semaphore, #tpu.memory_space<semaphore_mem>>)
      } else {
      }
      %dma_start3A_122 = arith.constant 0 : i32
      %dma_start3A_123 = arith.constant 0 : i32
      %dma_start3A_124 = arith.constant 0 : i32
      %dma_start3A_125 = tpu.memref_slice %arg8[%dma_start3A_122, %dma_start3A_123, %dma_start3A_124] : memref<8x8x129xf32, #tpu.memory_space<vmem>> -> memref<8x8x128xf32, #tpu.memory_space<vmem>>
      %dma_start3A_126 = arith.constant 0 : i32
      %dma_start3A_127 = arith.constant 0 : i32
      %dma_start3A_128 = arith.constant 0 : i32
      %dma_start3A_129 = tpu.memref_slice %arg4[%add3A_105, %dma_start3A_126, %add3A, %dma_start3A_127, %dma_start3A_128] : memref<200x8x32x8x128xf32, #tpu.memory_space<hbm>> -> memref<1x8x1x8x128xf32, #tpu.memory_space<hbm>>
      %dma_start3A_130 = tpu.memref_squeeze %dma_start3A_129 : memref<1x8x1x8x128xf32, #tpu.memory_space<hbm>> -> memref<8x8x128xf32, #tpu.memory_space<hbm>>
      %dma_start3A_131 = arith.constant 0 : i32
      %dma_start3A_132 = arith.constant 0 : i32
      %dma_start3A_133 = arith.constant 0 : i32
      %dma_start3A_134 = tpu.memref_slice %arg4[%add3A_105, %dma_start3A_131, %add3A, %dma_start3A_132, %dma_start3A_133] : memref<200x8x32x8x128xf32, #tpu.memory_space<hbm>> -> memref<1x8x1x8x128xf32, #tpu.memory_space<hbm>>
      %dma_start3A_135 = tpu.memref_squeeze %dma_start3A_134 : memref<1x8x1x8x128xf32, #tpu.memory_space<hbm>> -> memref<8x8x128xf32, #tpu.memory_space<hbm>>
      %dma_start3A_136 = arith.constant 0 : i32
      %dma_start3A_137 = arith.constant 0 : i32
      %dma_start3A_138 = arith.constant 0 : i32
      %dma_start3A_139 = tpu.memref_slice %arg8[%dma_start3A_136, %dma_start3A_137, %dma_start3A_138] : memref<8x8x129xf32, #tpu.memory_space<vmem>> -> memref<8x8x128xf32, #tpu.memory_space<vmem>>
      tpu.enqueue_dma source(%dma_start3A_139 : memref<8x8x128xf32, #tpu.memory_space<vmem>>) target(%dma_start3A_135 : memref<8x8x128xf32, #tpu.memory_space<hbm>>) target_semaphore(%arg12 : memref<!tpu.dma_semaphore, #tpu.memory_space<semaphore_mem>>)
      %mul3A_140 = arith.constant 2 : i32
      %mul3A_141 = arith.muli %scan3A_101, %mul3A_140 : i32
      %add3A_142 = arith.constant 1 : i32
      %add3A_143 = arith.addi %mul3A_141, %add3A_142 : i32
      %dma_wait3A_144 = arith.constant 0 : i32
      %dma_wait3A_145 = tpu.memref_slice %arg5[%add3A_143, %dma_wait3A_144] : memref<200x128xi32, #tpu.memory_space<vmem>> -> memref<1x128xi32, #tpu.memory_space<vmem>>
      %dma_wait3A_146 = tpu.memref_squeeze %dma_wait3A_145 : memref<1x128xi32, #tpu.memory_space<vmem>> -> memref<128xi32, #tpu.memory_space<vmem>>
      %dma_wait3A_147 = arith.constant 0 : i32
      %dma_wait3A_148 = arith.constant 0 : i32
      %dma_wait3A_149 = tpu.memref_slice %arg3[%dma_wait3A_147, %dma_wait3A_148] : memref<1000000x64xf32, #tpu.memory_space<hbm>> -> memref<1000000x64xf32, #tpu.memory_space<hbm>>
      tpu.wait_indirect_dma semaphore(%arg11 : memref<!tpu.dma_semaphore, #tpu.memory_space<semaphore_mem>>) src(%dma_wait3A_149 : memref<1000000x64xf32, #tpu.memory_space<hbm>>) dst(%arg7 : memref<128x64xf32, #tpu.memory_space<vmem>>)
      %ge3A_150 = arith.constant 2 : i32
      %ge3A_151 = arith.cmpi sge, %add3A_143, %ge3A_150 : i32
      %convert_element_type3A_152 = arith.extui %ge3A_151 : i1 to i32
      %cond3A_153 = arith.constant 0 : i32
      %cond3A_154 = arith.cmpi ne, %convert_element_type3A_152, %cond3A_153 : i32
      scf.if %cond3A_154 {
        %sub3A = arith.constant 2 : i32
        %sub3A_183 = arith.subi %add3A_143, %sub3A : i32
        %dma_wait3A_184 = arith.constant 0 : i32
        %dma_wait3A_185 = arith.constant 0 : i32
        %dma_wait3A_186 = arith.constant 0 : i32
        %dma_wait3A_187 = tpu.memref_slice %arg9[%dma_wait3A_184, %dma_wait3A_185, %dma_wait3A_186] : memref<8x8x129xf32, #tpu.memory_space<vmem>> -> memref<8x8x128xf32, #tpu.memory_space<vmem>>
        %dma_wait3A_188 = arith.constant 0 : i32
        %dma_wait3A_189 = arith.constant 0 : i32
        %dma_wait3A_190 = arith.constant 0 : i32
        %dma_wait3A_191 = tpu.memref_slice %arg4[%sub3A_183, %dma_wait3A_188, %add3A, %dma_wait3A_189, %dma_wait3A_190] : memref<200x8x32x8x128xf32, #tpu.memory_space<hbm>> -> memref<1x8x1x8x128xf32, #tpu.memory_space<hbm>>
        %dma_wait3A_192 = tpu.memref_squeeze %dma_wait3A_191 : memref<1x8x1x8x128xf32, #tpu.memory_space<hbm>> -> memref<8x8x128xf32, #tpu.memory_space<hbm>>
        %dma_wait3A_193 = arith.constant 0 : i32
        %dma_wait3A_194 = arith.constant 0 : i32
        %dma_wait3A_195 = arith.constant 0 : i32
        %dma_wait3A_196 = tpu.memref_slice %arg4[%sub3A_183, %dma_wait3A_193, %add3A, %dma_wait3A_194, %dma_wait3A_195] : memref<200x8x32x8x128xf32, #tpu.memory_space<hbm>> -> memref<1x8x1x8x128xf32, #tpu.memory_space<hbm>>
        %dma_wait3A_197 = tpu.memref_squeeze %dma_wait3A_196 : memref<1x8x1x8x128xf32, #tpu.memory_space<hbm>> -> memref<8x8x128xf32, #tpu.memory_space<hbm>>
        %dma_wait3A_198 = arith.constant 0 : i32
        %dma_wait3A_199 = arith.constant 0 : i32
        %dma_wait3A_200 = arith.constant 0 : i32
        %dma_wait3A_201 = tpu.memref_slice %arg9[%dma_wait3A_198, %dma_wait3A_199, %dma_wait3A_200] : memref<8x8x129xf32, #tpu.memory_space<vmem>> -> memref<8x8x128xf32, #tpu.memory_space<vmem>>
        tpu.wait_dma2 semaphore(%arg13 : memref<!tpu.dma_semaphore, #tpu.memory_space<semaphore_mem>>) src(%dma_wait3A_201 : memref<8x8x128xf32, #tpu.memory_space<vmem>>) dst(%dma_wait3A_197 : memref<8x8x128xf32, #tpu.memory_space<hbm>>)
      } else {
      }
      %parallel_loop3A_155 = arith.constant 0 : i32
      %parallel_loop3A_156 = arith.constant 128 : i32
      %parallel_loop3A_157 = arith.constant 1 : i32
      scf.for %parallel_loop3A_183 = %parallel_loop3A_155 to %parallel_loop3A_156 step %parallel_loop3A_157  : i32 {
        %parallel_loop3A_184 = vector.broadcast %parallel_loop3A_183 : i32 to vector<16xi32>
        %parallel_loop3A_185 = arith.index_cast %parallel_loop3A_183 : i32 to index
        %parallel_loop3A_186 = arith.constant 0 : index
        %parallel_loop3A_187 = tpu.vector_load %arg7[%parallel_loop3A_185, %parallel_loop3A_186] {strides = array<i32>} : memref<128x64xf32, #tpu.memory_space<vmem>>, vector<16xf32>,
        %parallel_loop3A_188 = arith.constant 8.000000e+00 : f32
        %parallel_loop3A_189 = vector.broadcast %parallel_loop3A_188 : f32 to vector<16xf32>
        %parallel_loop3A_190 = arith.mulf %parallel_loop3A_187, %parallel_loop3A_189 : vector<16xf32>
        tpu.vector_store_idx %arg9[%shift_right_arithmetic3A_18, %and3A_41, %parallel_loop3A_184], %parallel_loop3A_190 : memref<8x8x129xf32, #tpu.memory_space<vmem>>[vector<16xi32>, vector<16xi32>, vector<16xi32>], vector<16xf32>,
        %parallel_loop3A_191 = arith.index_cast %parallel_loop3A_183 : i32 to index
        %parallel_loop3A_192 = arith.constant 16 : index
        %parallel_loop3A_193 = tpu.vector_load %arg7[%parallel_loop3A_191, %parallel_loop3A_192] {strides = array<i32>} : memref<128x64xf32, #tpu.memory_space<vmem>>, vector<16xf32>,
        %parallel_loop3A_194 = arith.constant 8.000000e+00 : f32
        %parallel_loop3A_195 = vector.broadcast %parallel_loop3A_194 : f32 to vector<16xf32>
        %parallel_loop3A_196 = arith.mulf %parallel_loop3A_193, %parallel_loop3A_195 : vector<16xf32>
        tpu.vector_store_idx %arg9[%shift_right_arithmetic3A_24, %and3A_47, %parallel_loop3A_184], %parallel_loop3A_196 : memref<8x8x129xf32, #tpu.memory_space<vmem>>[vector<16xi32>, vector<16xi32>, vector<16xi32>], vector<16xf32>,
        %parallel_loop3A_197 = arith.index_cast %parallel_loop3A_183 : i32 to index
        %parallel_loop3A_198 = arith.constant 32 : index
        %parallel_loop3A_199 = tpu.vector_load %arg7[%parallel_loop3A_197, %parallel_loop3A_198] {strides = array<i32>} : memref<128x64xf32, #tpu.memory_space<vmem>>, vector<16xf32>,
        %parallel_loop3A_200 = arith.constant 8.000000e+00 : f32
        %parallel_loop3A_201 = vector.broadcast %parallel_loop3A_200 : f32 to vector<16xf32>
        %parallel_loop3A_202 = arith.mulf %parallel_loop3A_199, %parallel_loop3A_201 : vector<16xf32>
        tpu.vector_store_idx %arg9[%shift_right_arithmetic3A_30, %and3A_53, %parallel_loop3A_184], %parallel_loop3A_202 : memref<8x8x129xf32, #tpu.memory_space<vmem>>[vector<16xi32>, vector<16xi32>, vector<16xi32>], vector<16xf32>,
        %parallel_loop3A_203 = arith.index_cast %parallel_loop3A_183 : i32 to index
        %parallel_loop3A_204 = arith.constant 48 : index
        %parallel_loop3A_205 = tpu.vector_load %arg7[%parallel_loop3A_203, %parallel_loop3A_204] {strides = array<i32>} : memref<128x64xf32, #tpu.memory_space<vmem>>, vector<16xf32>,
        %parallel_loop3A_206 = arith.constant 8.000000e+00 : f32
        %parallel_loop3A_207 = vector.broadcast %parallel_loop3A_206 : f32 to vector<16xf32>
        %parallel_loop3A_208 = arith.mulf %parallel_loop3A_205, %parallel_loop3A_207 : vector<16xf32>
        tpu.vector_store_idx %arg9[%shift_right_arithmetic3A_36, %and3A_59, %parallel_loop3A_184], %parallel_loop3A_208 : memref<8x8x129xf32, #tpu.memory_space<vmem>>[vector<16xi32>, vector<16xi32>, vector<16xi32>], vector<16xf32>,
      } {sc.loop_unroll_factor = 8 : i64, sc.parallel_access}
      %add3A_158 = arith.constant 2 : i32
      %add3A_159 = arith.addi %add3A_143, %add3A_158 : i32
      %lt3A_160 = arith.constant 200 : i32
      %lt3A_161 = arith.cmpi slt, %add3A_159, %lt3A_160 : i32
      %convert_element_type3A_162 = arith.extui %lt3A_161 : i1 to i32
      %cond3A_163 = arith.constant 0 : i32
      %cond3A_164 = arith.cmpi ne, %convert_element_type3A_162, %cond3A_163 : i32
      scf.if %cond3A_164 {
        %add3A_183 = arith.constant 2 : i32
        %add3A_184 = arith.addi %add3A_143, %add3A_183 : i32
        %dma_start3A_185 = arith.constant 0 : i32
        %dma_start3A_186 = tpu.memref_slice %arg5[%add3A_184, %dma_start3A_185] : memref<200x128xi32, #tpu.memory_space<vmem>> -> memref<1x128xi32, #tpu.memory_space<vmem>>
        %dma_start3A_187 = tpu.memref_squeeze %dma_start3A_186 : memref<1x128xi32, #tpu.memory_space<vmem>> -> memref<128xi32, #tpu.memory_space<vmem>>
        %dma_start3A_188 = arith.constant 0 : i32
        %dma_start3A_189 = arith.constant 0 : i32
        %dma_start3A_190 = tpu.memref_slice %arg3[%dma_start3A_188, %dma_start3A_189] : memref<1000000x64xf32, #tpu.memory_space<hbm>> -> memref<1000000x64xf32, #tpu.memory_space<hbm>>
        tpu.enqueue_indirect_dma source(%dma_start3A_190 : memref<1000000x64xf32, #tpu.memory_space<hbm>>) target(%arg7 : memref<128x64xf32, #tpu.memory_space<vmem>>) offsets(%dma_start3A_187 : memref<128xi32, #tpu.memory_space<vmem>>) semaphore(%arg11 : memref<!tpu.dma_semaphore, #tpu.memory_space<semaphore_mem>>)
      } else {
      }
      %dma_start3A_165 = arith.constant 0 : i32
      %dma_start3A_166 = arith.constant 0 : i32
      %dma_start3A_167 = arith.constant 0 : i32
      %dma_start3A_168 = tpu.memref_slice %arg9[%dma_start3A_165, %dma_start3A_166, %dma_start3A_167] : memref<8x8x129xf32, #tpu.memory_space<vmem>> -> memref<8x8x128xf32, #tpu.memory_space<vmem>>
      %dma_start3A_169 = arith.constant 0 : i32
      %dma_start3A_170 = arith.constant 0 : i32
      %dma_start3A_171 = arith.constant 0 : i32
      %dma_start3A_172 = tpu.memref_slice %arg4[%add3A_143, %dma_start3A_169, %add3A, %dma_start3A_170, %dma_start3A_171] : memref<200x8x32x8x128xf32, #tpu.memory_space<hbm>> -> memref<1x8x1x8x128xf32, #tpu.memory_space<hbm>>
      %dma_start3A_173 = tpu.memref_squeeze %dma_start3A_172 : memref<1x8x1x8x128xf32, #tpu.memory_space<hbm>> -> memref<8x8x128xf32, #tpu.memory_space<hbm>>
      %dma_start3A_174 = arith.constant 0 : i32
      %dma_start3A_175 = arith.constant 0 : i32
      %dma_start3A_176 = arith.constant 0 : i32
      %dma_start3A_177 = tpu.memref_slice %arg4[%add3A_143, %dma_start3A_174, %add3A, %dma_start3A_175, %dma_start3A_176] : memref<200x8x32x8x128xf32, #tpu.memory_space<hbm>> -> memref<1x8x1x8x128xf32, #tpu.memory_space<hbm>>
      %dma_start3A_178 = tpu.memref_squeeze %dma_start3A_177 : memref<1x8x1x8x128xf32, #tpu.memory_space<hbm>> -> memref<8x8x128xf32, #tpu.memory_space<hbm>>
      %dma_start3A_179 = arith.constant 0 : i32
      %dma_start3A_180 = arith.constant 0 : i32
      %dma_start3A_181 = arith.constant 0 : i32
      %dma_start3A_182 = tpu.memref_slice %arg9[%dma_start3A_179, %dma_start3A_180, %dma_start3A_181] : memref<8x8x129xf32, #tpu.memory_space<vmem>> -> memref<8x8x128xf32, #tpu.memory_space<vmem>>
      tpu.enqueue_dma source(%dma_start3A_182 : memref<8x8x128xf32, #tpu.memory_space<vmem>>) target(%dma_start3A_178 : memref<8x8x128xf32, #tpu.memory_space<hbm>>) target_semaphore(%arg13 : memref<!tpu.dma_semaphore, #tpu.memory_space<semaphore_mem>>)
    }
    %scan3A_63 = arith.constant 100 : i32
    %dma_wait3A = arith.constant 198 : i32
    %dma_wait3A_64 = arith.constant 0 : i32
    %dma_wait3A_65 = arith.constant 0 : i32
    %dma_wait3A_66 = arith.constant 0 : i32
    %dma_wait3A_67 = tpu.memref_slice %arg8[%dma_wait3A_64, %dma_wait3A_65, %dma_wait3A_66] : memref<8x8x129xf32, #tpu.memory_space<vmem>> -> memref<8x8x128xf32, #tpu.memory_space<vmem>>
    %dma_wait3A_68 = arith.constant 0 : i32
    %dma_wait3A_69 = arith.constant 0 : i32
    %dma_wait3A_70 = arith.constant 0 : i32
    %dma_wait3A_71 = tpu.memref_slice %arg4[%dma_wait3A, %dma_wait3A_68, %add3A, %dma_wait3A_69, %dma_wait3A_70] : memref<200x8x32x8x128xf32, #tpu.memory_space<hbm>> -> memref<1x8x1x8x128xf32, #tpu.memory_space<hbm>>
    %dma_wait3A_72 = tpu.memref_squeeze %dma_wait3A_71 : memref<1x8x1x8x128xf32, #tpu.memory_space<hbm>> -> memref<8x8x128xf32, #tpu.memory_space<hbm>>
    %dma_wait3A_73 = arith.constant 0 : i32
    %dma_wait3A_74 = arith.constant 0 : i32
    %dma_wait3A_75 = arith.constant 0 : i32
    %dma_wait3A_76 = tpu.memref_slice %arg4[%dma_wait3A, %dma_wait3A_73, %add3A, %dma_wait3A_74, %dma_wait3A_75] : memref<200x8x32x8x128xf32, #tpu.memory_space<hbm>> -> memref<1x8x1x8x128xf32, #tpu.memory_space<hbm>>
    %dma_wait3A_77 = tpu.memref_squeeze %dma_wait3A_76 : memref<1x8x1x8x128xf32, #tpu.memory_space<hbm>> -> memref<8x8x128xf32, #tpu.memory_space<hbm>>
    %dma_wait3A_78 = arith.constant 0 : i32
    %dma_wait3A_79 = arith.constant 0 : i32
    %dma_wait3A_80 = arith.constant 0 : i32
    %dma_wait3A_81 = tpu.memref_slice %arg8[%dma_wait3A_78, %dma_wait3A_79, %dma_wait3A_80] : memref<8x8x129xf32, #tpu.memory_space<vmem>> -> memref<8x8x128xf32, #tpu.memory_space<vmem>>
    tpu.wait_dma2 semaphore(%arg12 : memref<!tpu.dma_semaphore, #tpu.memory_space<semaphore_mem>>) src(%dma_wait3A_81 : memref<8x8x128xf32, #tpu.memory_space<vmem>>) dst(%dma_wait3A_77 : memref<8x8x128xf32, #tpu.memory_space<hbm>>)
    %dma_wait3A_82 = arith.constant 199 : i32
    %dma_wait3A_83 = arith.constant 0 : i32
    %dma_wait3A_84 = arith.constant 0 : i32
    %dma_wait3A_85 = arith.constant 0 : i32
    %dma_wait3A_86 = tpu.memref_slice %arg9[%dma_wait3A_83, %dma_wait3A_84, %dma_wait3A_85] : memref<8x8x129xf32, #tpu.memory_space<vmem>> -> memref<8x8x128xf32, #tpu.memory_space<vmem>>
    %dma_wait3A_87 = arith.constant 0 : i32
    %dma_wait3A_88 = arith.constant 0 : i32
    %dma_wait3A_89 = arith.constant 0 : i32
    %dma_wait3A_90 = tpu.memref_slice %arg4[%dma_wait3A_82, %dma_wait3A_87, %add3A, %dma_wait3A_88, %dma_wait3A_89] : memref<200x8x32x8x128xf32, #tpu.memory_space<hbm>> -> memref<1x8x1x8x128xf32, #tpu.memory_space<hbm>>
    %dma_wait3A_91 = tpu.memref_squeeze %dma_wait3A_90 : memref<1x8x1x8x128xf32, #tpu.memory_space<hbm>> -> memref<8x8x128xf32, #tpu.memory_space<hbm>>
    %dma_wait3A_92 = arith.constant 0 : i32
    %dma_wait3A_93 = arith.constant 0 : i32
    %dma_wait3A_94 = arith.constant 0 : i32
    %dma_wait3A_95 = tpu.memref_slice %arg4[%dma_wait3A_82, %dma_wait3A_92, %add3A, %dma_wait3A_93, %dma_wait3A_94] : memref<200x8x32x8x128xf32, #tpu.memory_space<hbm>> -> memref<1x8x1x8x128xf32, #tpu.memory_space<hbm>>
    %dma_wait3A_96 = tpu.memref_squeeze %dma_wait3A_95 : memref<1x8x1x8x128xf32, #tpu.memory_space<hbm>> -> memref<8x8x128xf32, #tpu.memory_space<hbm>>
    %dma_wait3A_97 = arith.constant 0 : i32
    %dma_wait3A_98 = arith.constant 0 : i32
    %dma_wait3A_99 = arith.constant 0 : i32
    %dma_wait3A_100 = tpu.memref_slice %arg9[%dma_wait3A_97, %dma_wait3A_98, %dma_wait3A_99] : memref<8x8x129xf32, #tpu.memory_space<vmem>> -> memref<8x8x128xf32, #tpu.memory_space<vmem>>
    tpu.wait_dma2 semaphore(%arg13 : memref<!tpu.dma_semaphore, #tpu.memory_space<semaphore_mem>>) src(%dma_wait3A_100 : memref<8x8x128xf32, #tpu.memory_space<vmem>>) dst(%dma_wait3A_96 : memref<8x8x128xf32, #tpu.memory_space<hbm>>)
    return
  }
}

</mosaic_0001>

<sc_bundles>
// kernel: _emb_call.3.cloned.1.call-start
scs
__scs_entry_jumppad:
0x0: {  	(pc) =	sbr.rel $0x88, $3  }
0x1: {  	(tag) =	ssettag $0x0;
	lr =	simm.s32 $0x1  }
0x2: {  	[smem:$0x3F9F] =	sst lr;
	_ =	strace $0xD0000000  }
0x3: {  	_ = 	snop  }
0x4: {  	_ = 	snop  }
0x5: {  	_ = 	snop  }
0x6: {  	_ = 	snop  }
0x7: {  	_ = 	snop  }
__scs_overlays_trampoline_lowered:
0x8: {  	[smem:$0x3FAE] =	sst s0  }
0x9: {  	[smem:$0x3FAF] =	sst s1  }
0xa: {  	[smem:$0x3FB0] =	sst s2  }
0xb: {  	[smem:$0x3FB1] =	sst s3  }
0xc: {  	[smem:$0x3FB2] =	sst s4  }
0xd: {  	[smem:$0x3FB3] =	sst s5  }
0xe: {  	[smem:$0x3FB4] =	sst s6  }
0xf: {  	[smem:$0x3FB5] =	sst s7  }
0x10: {  	[smem:$0x3FB6] =	sst s8  }
0x11: {  	[smem:$0x3FB7] =	sst s9;
	s0 =	simm.s32 @!p0 $0x0  }
0x12: {  	s1 =	sld [smem:$0x3F9D];
	s0 =	simm.s32 @p0 $0x1  }
0x13: {  	[smem:$0x3FB8] =	sst s0;
	s0 =	simm.s32 @!p1 $0x0  }
0x14: {  	s2 =	sld [smem:$0x3F9C];
	s0 =	simm.s32 @p1 $0x1  }
0x15: {  	[smem:$0x3FB9] =	sst s0;
	s0 =	simm.s32 @!p2 $0x0  }
0x16: {  	s3 =	sld [smem:$0x3FDB];
	s0 =	simm.s32 @p2 $0x1  }
0x17: {  	s4 =	simm.s32 $0x1BF5;
	[smem:$0x3FBB] =	sst s0  }
0x18: {  	s0 =	sld [smem:$0x3F9E];
	_ =	swait.ge [sflag:s4], $0x0  }
0x19: {  	s7 =	sld [smem:$0x3F9F]  }
0x1a: {  	s8 =	sadd.s32 $0xFFFFE003, lr  }
0x1b: {  	s9 =	sadd.s32 $0xFFFFFEF7, lr;
	s5 =	simm.s32 $0xFFFFFFFF;
	p2 =	slt.u32 s8, $0xFFFFF086  }
0x1c: {  	p1 =	slt.u32 s9, $0xF7A;
	s5 =	simm.s32 @!p2 $0x0  }
0x1d: {  	s5 =	simm.s32 @p1 $0x1;
	p0 =	seq.s32 s7, s2  }
0x1e: {  	s7 =	smul.u32 @!p0 $0xF7A, s2;
	p2 =	seq.s32 @!p0 s5, $0x0  }
0x1f: {  	s9 =	smul.u32 $0xF7A, s1;
	s8 =	simm.s32 @!p0 $0x1BF5;
	p2 =	por !p2, p0  }
0x20: {  	[sflag:s8] =	ssyncset.s32 @!p0 $0xFFFFF086;
	s6 =	sadd.s32 @!p0 s3, s7;
	s7 =	simm.s32 @!p0 $0x108  }
0x21: {  	s3 =	sadd.s32 s3, s9;
	s6 =	sadd.s32 @!p0 $0x88, s6;
	s7 =	simm.s32 @p2 $0x1082  }
0x22: {  	[simem:s7], [sflag:s8] =	dma.local @!p0 [hbm:s6], $0xF7A  }
0x23: {  	s9 =	sor.u32 $0xD0000000, s2;
	s6 =	simm.s32 $0x108;
	_ =	swait.ge @!p0 [sflag:s8], $0x0  }
0x24: {  	s3 =	sadd.s32 $0x88, s3;
	s6 =	simm.s32 @!p1 $0x1082;
	[sflag:s4] =	ssyncset.s32 $0xFFFFF086  }
0x25: {  	[simem:s6], [sflag:s4] =	dma.local [hbm:s3], $0xF7A  }
0x26: {  	[smem:$0x3F9F] =	sst s1;
	(tag) =	ssettag s2;
	_ =	strace s9  }
0x27: {  	s1 =	sld [smem:$0x3FAF]  }
0x28: {  	s2 =	sld [smem:$0x3FB0]  }
0x29: {  	s4 =	sld [smem:$0x3FB2]  }
0x2a: {  	p0 =	seq.s32 s5, $0x0;
	s5 =	sld [smem:$0x3FB3]  }
0x2b: {  	s6 =	sld [smem:$0x3FB4]  }
0x2c: {  	s7 =	sld [smem:$0x3FB5]  }
0x2d: {  	s3 =	simm.s32 $0x108;
	s8 =	sld [smem:$0x3FB6]  }
0x2e: {  	s3 =	simm.s32 @!p0 $0x1082;
	s9 =	sld [smem:$0x3FB7]  }
0x2f: {  	lr =	sadd.s32 s0, s3;
	s0 =	sld [smem:$0x3FAE]  }
0x30: {  	s3 =	sld [smem:$0x3FB1]  }
0x31: {  	[smem:$0x3FBA] =	sst s10  }
0x32: {  	s10 =	sld [smem:$0x3FB8];
	_ =	sdelay $0x3  }
0x33: {  	p0 =	seq.s32 s10, $0x1;
	s10 =	sld [smem:$0x3FBA];
	_ =	sdelay $0x3  }
0x34: {  	[smem:$0x3FBA] =	sst s10  }
0x35: {  	s10 =	sld [smem:$0x3FB9];
	_ =	sdelay $0x3  }
0x36: {  	p1 =	seq.s32 s10, $0x1;
	s10 =	sld [smem:$0x3FBA];
	_ =	sdelay $0x3  }
0x37: {  	[smem:$0x3FBA] =	sst s10  }
0x38: {  	s10 =	sld [smem:$0x3FBB]  }
0x39: {  	_ = 	snop;
	(pc) =	sbr.ind lr, $3  }
0x3a: {  	_ = 	snop  }
0x3b: {  	_ = 	snop  }
0x3c: {  	p2 =	seq.s32 s10, $0x1;
	s10 =	sld [smem:$0x3FBA]  }
0x3d: {  	_ =	shalt  }
0x3e: {  	_ =	shalt  }
0x3f: {  	_ =	shalt  }
0x40: {  	_ =	shalt  }
0x41: {  	_ =	shalt  }
0x42: {  	_ =	shalt  }
0x43: {  	_ =	shalt  }
0x44: {  	_ =	shalt  }
0x45: {  	_ =	shalt  }
0x46: {  	_ =	shalt  }
0x47: {  	_ =	shalt  }
0x48: {  	_ =	shalt  }
0x49: {  	_ =	shalt  }
0x4a: {  	_ =	shalt  }
0x4b: {  	_ =	shalt  }
0x4c: {  	_ =	shalt  }
0x4d: {  	_ =	shalt  }
0x4e: {  	_ =	shalt  }
0x4f: {  	_ =	shalt  }
0x50: {  	_ =	shalt  }
0x51: {  	_ =	shalt  }
0x52: {  	_ =	shalt  }
0x53: {  	_ =	shalt  }
0x54: {  	_ =	shalt  }
0x55: {  	_ =	shalt  }
0x56: {  	_ =	shalt  }
0x57: {  	_ =	shalt  }
0x58: {  	_ =	shalt  }
0x59: {  	_ =	shalt  }
0x5a: {  	_ =	shalt  }
0x5b: {  	_ =	shalt  }
0x5c: {  	_ =	shalt  }
0x5d: {  	_ =	shalt  }
0x5e: {  	_ =	shalt  }
0x5f: {  	_ =	shalt  }
0x60: {  	_ =	shalt  }
0x61: {  	_ =	shalt  }
0x62: {  	_ =	shalt  }
0x63: {  	_ =	shalt  }
0x64: {  	_ =	shalt  }
0x65: {  	_ =	shalt  }
0x66: {  	_ =	shalt  }
0x67: {  	_ =	shalt  }
0x68: {  	_ =	shalt  }
0x69: {  	_ =	shalt  }
0x6a: {  	_ =	shalt  }
0x6b: {  	_ =	shalt  }
0x6c: {  	_ =	shalt  }
0x6d: {  	_ =	shalt  }
0x6e: {  	_ =	shalt  }
0x6f: {  	_ =	shalt  }
0x70: {  	_ =	shalt  }
0x71: {  	_ =	shalt  }
0x72: {  	_ =	shalt  }
0x73: {  	_ =	shalt  }
0x74: {  	_ =	shalt  }
0x75: {  	_ =	shalt  }
0x76: {  	_ =	shalt  }
0x77: {  	_ =	shalt  }
0x78: {  	_ =	shalt  }
0x79: {  	_ =	shalt  }
0x7a: {  	_ =	shalt  }
0x7b: {  	_ =	shalt  }
0x7c: {  	_ =	shalt  }
0x7d: {  	_ =	shalt  }
0x7e: {  	_ =	shalt  }
0x7f: {  	_ =	shalt  }
0x80: {  	_ =	shalt  }
0x81: {  	_ =	shalt  }
0x82: {  	_ =	shalt  }
0x83: {  	_ =	shalt  }
0x84: {  	_ =	shalt  }
0x85: {  	_ =	shalt  }
0x86: {  	_ =	shalt  }
0x87: {  	_ =	shalt  }
.Lfunc_end0:
.L_simem_size_0:
called_computation_lowered:
.L_overlay_start_0:
0x88: {  	s2 =	sld [smem:$0x3FD9]  }
0x89: {  	s3 =	sld [smem:$0x3FFE];
	_ =	sdelay $0x1  }
0x8a: {  	s1 =	srdreg.scid  }
0x8b: {  	s0 =	sand.u32 $0x1, s1  }
0x8c: {  	s17 =	sshll.u32 s0, $0xA;
	s2 =	sadd.s32 s3, s2  }
0x8d: {  	s2 =	sadd.s32 s2, s17  }
0x8e: {  	[smem:$0x3FC6] =	sst s2  }
0x8f: {  	_ = 	snop  }
0x90: {  	s2 =	sld [smem:$0x3FC9]  }
0x91: {  	s18 =	sld [smem:$0x3FD0];
	(tm) =	ssettm $0x1  }
0x92: {  	s4 =	sld [smem:$0x3FFB];
	_ =	sdelay $0x3  }
0x93: {  	_ =	strace s4  }
0x94: {  	s4 =	sld [smem:$0x3FFC];
	_ =	sdelay $0x3  }
0x95: {  	_ =	strace s4  }
0x96: {  	s4 =	sld [smem:$0x3FFD];
	_ =	sdelay $0x3  }
0x97: {  	_ =	strace s4  }
0x98: {  	_ =	strace $0x8FFFFFFF  }
0x99: {  	s19 =	sld [smem:$0x3FDB];
	_ =	sdelay $0x1  }
0x9a: {  	s5 =	simm.s32 $_scs_section_size  }
0x9b: {  	s6 =	simm.s32 $_size__tile_overlayer_lowered;
	s7 =	simm.s32 $_tile_overlayer_lowered  }
0x9c: {  	s22 =	simm.s32 $0x1BFF;
	s21 =	sshll.u32 s7, $0x1;
	s4 =	sadd.s32 s5, s19  }
0x9d: {  	s8 =	simm.s32 $0x0;
	s20 =	sshll.u32 s6, $0x1;
	s6 =	sadd.s32 s21, s4  }
0x9e: {  	[timem:s8], [sflag:s22] =	dma.local [hbm:s6], s20  }
0x9f: {  	_ =	swait.ge [sflag:s22], s20  }
0xa0: {  	s5 =	ssub.s32 $0x0, s20;
	[sflag:s22] =	ssyncset.done $0x0  }
0xa1: {  	[sflag:s22] =	ssyncadd.s32 s5;
	_ =	sdelay $0x1  }
0xa2: {  	s23 =	simm.s32 $0x1B8B  }
0xa3: {  	_ =	swait.ge [sflag:s23], $0x1  }
0xa4: {  	[sflag:s23] =	ssyncset.done $0x0  }
0xa5: {  	s25 =	simm.s32 $0x1B8E;
	s24 =	sld [smem:$0x3FFE];
	[sflag:s23] =	ssyncadd.s32 $0xFFFFFFFF  }
0xa6: {  	s26 =	simm.s32 $execute0_lowered;
	[smem:$0x3FD2] =	sst s25  }
0xa7: {  	s6 =	sshll.u32 s26, $0x1;
	_ =	strace $0x80000046;
	[dreg:$0x1] =	wrdreg $0xFFFFFFFF  }
0xa8: {  	s28 =	simm.s32 $_size_execute0_lowered;
	s4 =	sadd.s32 s4, s6;
	[dreg:$0x0] =	wrdreg $0x0  }
0xa9: {  	s6 =	sshll.u32 s28, $0x1;
	[dreg:$0x2] =	wrdreg s4  }
0xaa: {  	[dreg:$0x3] =	wrdreg s6  }
0xab: {  	[dreg:$0x4] =	wrdreg $0xC0  }
0xac: {  	_ =	task [dreg:s8], $0x5FFFF  }
0xad: {  	[dreg:$0x1] =	wrdreg $0xFFFFFFFF  }
0xae: {  	[dreg:$0x0] =	wrdreg $0x60  }
0xaf: {  	[dreg:$0x2] =	wrdreg s2  }
0xb0: {  	[dreg:$0x3] =	wrdreg s24  }
0xb1: {  	[dreg:$0x4] =	wrdreg s18  }
0xb2: {  	[dreg:$0x5] =	wrdreg $0x9  }
0xb3: {  	_ =	task.clear_ibuf [dreg:s8], $0x6FFFF;
	_ =	strace $0x90000046  }
0xb4: {  	s29 =	simm.s32 $0x9;
	_ =	strace $0x80000048  }
0xb5: {  	_ =	swait.ge [sflag:s29], $0x1  }
0xb6: {  	[sflag:s29] =	ssyncadd.s32 $0xFFFFFFFF  }
0xb7: {  	_ =	strace $0x90000048  }
0xb8: {  	_ =	sfence  }
0xb9: {  	s30 =	sld [smem:$0x0];
	_ =	sdelay $0x2  }
0xba: {  	s31 =	sshll.u32 s1, $0xD;
	s1 =	sshrl.u32 s1, $0x2  }
0xbb: {  	s3 =	sand.u32 $0x4000, s31;
	s1 =	sadd.s32 s1, s30  }
0xbc: {  	s0 =	sor.u32 s3, s0;
	s1 =	sshll.u32 s1, $0x11  }
0xbd: {  	s0 =	sor.u32 s1, s0  }
0xbe: {  	s0 =	sadd.s32 $0x8F2B, s0  }
0xbf: {  	[sflag:s0] =	ssyncadd.remote.s32 $0x1  }
0xc0: {  	_ =	sfence.sel $0xFFFF  }
0xc1: {  	[dreg:$0x0] =	wrdreg $0xFFFFFFFF;
	(pc) =	sbr.abs _section_cstart, $3  }
0xc2: {  	[dreg:$0x1] =	wrdreg $0xFFFFFFFF  }
0xc3: {  	_ =	task.clear_ibuf [dreg:s8], $0x2FFFF;
	_ =	strace $0x9FFFFFFF  }
0xc4: {  	(tm) =	ssettm $0x7FFFFFFF  }
0xc5: {  	_ =	shalt  }
tec
execute0_lowered:
.L_overlay_start_1:
0x0: {  	(tag) =	ssettag $0x1  }
0x1: {  	v0 =	vlaneseq.u32;
	s5 =	rddreg [dreg:$0x0]  }
0x2: {  	s4 =	rddreg [dreg:$0x1];
	s3 =	srdreg.scid;
	v63 =	vmul.u32 $0x88, v0  }
0x3: {  	s1 =	rddreg [dreg:$0x2];
	s6 =	sand.u32 $0x1, s3;
	s3 =	simm.s32 $0x0  }
0x4: {  	[smem:$0x7FF] =	sst s3;
	v0 =	vadd.s32 $0x1987, v63  }
0x5: {  	s2 =	rddreg [dreg:$0x3];
	v32 =	vadd.s32 $0x1982, v63;
	_ =	strace $0x80000047;
	[tilespmem:$0x1FF10] =	vst v0  }
0x6: {  	v26 =	vor.u32 $0x4, v63;
	[tilespmem:$0x1FF20] =	vst v32  }
0x7: {  	v19 =	vadd.s32 $0x1104, v63;
	[tilespmem:$0x1FF30] =	vst v26  }
0x8: {  	v30 =	vor.u32 $0x5, v63;
	[tilespmem:$0x1FF40] =	vst v19  }
0x9: {  	v14 =	vadd.s32 $0x1105, v63;
	[tilespmem:$0x1FF50] =	vst v30  }
0xa: {  	v18 =	vor.u32 $0x6, v63;
	[tilespmem:$0x1FF60] =	vst v14  }
0xb: {  	v1 =	vimm.s32 $0x0;
	vm0 =	vcmask $0x300;
	v6 =	vadd.s32 $0x1106, v63;
	[tilespmem:$0x1FF70] =	vst v18  }
0xc: {  	s0 =	stileid.u32;
	s10 =	simm.s32 $0x80;
	v1 =	vsel vm0, $0x3, v1;
	v12 =	vadd.s32 $0x880, v63;
	v15 =	vor.u32 $0x7, v63;
	[tilespmem:$0x1FF80] =	vst v6  }
0xd: {  	s11 =	simm.s32 $0x6400;
	s12 =	simm.s32 $0x8400;
	s13 =	simm.s32 $0x1;
	v5 =	vadd.s32 $0x1100, v63;
	v2 =	vadd.s32 $0x1980, v63;
	v8 =	vadd.s32 $0x1983, v63;
	[tilespmem:$0x1FF90] =	vst v15  }
0xe: {  	s14 =	simm.s32 $0xA400;
	s15 =	simm.s32 $0x2;
	s16 =	simm.s32 $0xC600;
	v54 =	vor.u32 $0x1, v63;
	v9 =	vadd.s32 $0x881, v63;
	v57 =	vadd.s32 $0x1984, v63;
	[tilespmem:$0x1FFA0] =	vst v8  }
0xf: {  	s17 =	simm.s32 $0x3;
	s18 =	simm.s32 $0x4;
	s7 =	sshll.u32 s0, $0x1;
	v17 =	vadd.s32 $0x1101, v63;
	v50 =	vadd.s32 $0x1981, v63;
	v27 =	vadd.s32 $0x1985, v63;
	[tilespmem:$0x1FFB0] =	vst v57  }
0x10: {  	s19 =	simm.s32 $0x0;
	s8 =	ssub.s32 $0x2, s6;
	s6 =	sor.u32 s6, s7;
	v28 =	vor.u32 $0x2, v63;
	v7 =	vadd.s32 $0x882, v63;
	v20 =	vadd.s32 $0x1986, v63;
	[tilespmem:$0x1FFC0] =	vst v27  }
0x11: {  	s4 =	sadd.s32 $0xF42800, s4;
	v22 =	vadd.s32 $0x1102, v63;
	s31 =	sshrl.u32 s8, $0x1;
	s9 =	smul.u32 $0xC80, s6;
	v60 =	vor.u32 $0x3, v63;
	v13 =	vadd.s32 $0x883, v63;
	[tilespmem:$0x1FFD0] =	vst v20  }
0x12: {  	s7 =	sadd.s32 $0x8000, s1;
	v62 =	vadd.s32 $0x1103, v63;
	s6 =	sshll.u32 s6, $0x7;
	v21 =	vadd.s32 $0x884, v63;
	v25 =	vadd.s32 $0x885, v63;
	s8 =	ssub.s32 s8, s31;
	[tilespmem:$0x1FFE0] =	vst v60  }
0x13: {  	v29 =	vadd.s32 $0x886, v63;
	v16 =	vadd.s32 $0x887, v63;
	v3 =	vadd.s32 $0x1107, v63;
	[tilespmem:$0x1FFF0] =	vst v50;
	s5 =	sadd.s32 s5, s9;
	s8 =	smax.u32 s8, $0x1;
	s9 =	simm.s32 $0x5  }
.LBB2_1:
0x14: {  	[tilespmem:s3], [sflag:$0x5] =	stream.linear.gather [hbm4b:s5+s3], $0x6400, $0x38;
	[tilespmem:$0xE800] =	vst v63  }
0x15: {  	_ =	swait.ge [sflag:s9], $0x6400  }
0x16: {  	[sflag:s9] =	ssyncset.done $0x0  }
0x17: {  	[sflag:s9] =	ssyncadd.s32 $0xFFFF9C00  }
0x18: {  	[tilespmem:s11], [sflag:$0x1] =	stream.indirect.gather [hbm4b:s4+s10], $0x40, s3, s10, $0xb8;
	[tilespmem:$0xE800] =	vst v63  }
0x19: {  	s20 =	simm.s32 $0x0  }
0x1a: {  	[tilespmem:s12], [sflag:$0x2] =	stream.indirect.gather [hbm4b:s4+s10], $0x40, s10, s10, $0xb8;
	[tilespmem:$0xE800] =	vst v63  }
.LBB2_2:
0x1b: {  	_ =	swait.ge [sflag:s13], $0x2000  }
0x1c: {  	s21 =	simm.s32 $0x0;
	p0 =	seq.s32 s20, $0x0;
	s28 =	simm.s32 $0x1  }
0x1d: {  	s22 =	simm.s32 $0x2;
	s23 =	simm.s32 $0x3;
	s29 =	simm.s32 $0x4;
	v33 =	vmov s21;
	v34 =	vmov s28  }
0x1e: {  	s30 =	simm.s32 $0x5;
	s31 =	simm.s32 $0x6;
	[sflag:s13] =	ssyncset.done $0x0;
	v35 =	vmov s22;
	v36 =	vmov s23;
	v37 =	vmov s29  }
0x1f: {  	s24 =	simm.s32 @!p0 $0x3;
	v38 =	vmov s30;
	v39 =	vmov s31;
	s23 =	simm.s32 $0x7;
	v33 =	vshrl.u32 v33, $0x3;
	[sflag:s13] =	ssyncadd.s32 $0xFFFFE000  }
0x20: {  	v34 =	vshrl.u32 v34, $0x3;
	v40 =	vmov s23;
	v35 =	vshrl.u32 v35, $0x3;
	_ =	swait.ge @!p0 [sflag:s24], $0x2000  }
0x21: {  	v36 =	vshrl.u32 v36, $0x3;
	v37 =	vshrl.u32 v37, $0x3;
	v40 =	vshrl.u32 v40, $0x3;
	[sflag:s24] =	ssyncset.done @!p0 $0x0  }
0x22: {  	s22 =	simm.s32 $0x6500;
	v38 =	vshrl.u32 v38, $0x3;
	v42 =	vshrl.u32 v39, $0x3;
	v40 =	vshll.u32 v40, v1;
	[sflag:s24] =	ssyncadd.s32 @!p0 $0xFFFFE000  }
0x23: {  	v33 =	vshll.u32 v33, v1;
	v34 =	vshll.u32 v34, v1;
	v6 =	vbroadcast v40, $0x0;
	v55 =	vld [tilespmem:s22+$0xC0]  }
0x24: {  	v35 =	vshll.u32 v35, v1;
	v36 =	vshll.u32 v36, v1;
	v10 =	vbroadcast v33, $0x0;
	v43 =	vld [tilespmem:s22+$0xFFFFFF00]  }
0x25: {  	v44 =	vshll.u32 v37, v1;
	v11 =	vbroadcast v34, $0x0;
	v45 =	vld [tilespmem:s22+$0xFFFFFF40];
	v46 =	vadd.s32 v15, v6  }
0x26: {  	v56 =	vshll.u32 v38, v1;
	v37 =	vbroadcast v35, $0x0;
	v58 =	vadd.s32 v63, v10;
	v47 =	vld [tilespmem:s22+$0xFFFFFF80]  }
0x27: {  	v42 =	vshll.u32 v42, v1;
	v36 =	vbroadcast v36, $0x0;
	v48 =	vadd.s32 v54, v11;
	v49 =	vld [tilespmem:s22+$0xFFFFFFC0]  }
0x28: {  	v35 =	vbroadcast v44, $0x0;
	v50 =	vadd.s32 v28, v37;
	v51 =	vld [tilespmem:s22+$0x0];
	v59 =	vmul.f32 $8.000000000e+00, v55  }
0x29: {  	v33 =	vbroadcast v56, $0x0;
	v52 =	vadd.s32 v60, v36;
	v53 =	vld [tilespmem:s22+$0x40];
	v43 =	vmul.f32 $8.000000000e+00, v43  }
0x2a: {  	v24 =	vmovc v54;
	v34 =	vbroadcast v42, $0x0;
	v54 =	vadd.s32 v26, v35;
	v45 =	vmul.f32 $8.000000000e+00, v45;
	v55 =	vld [tilespmem:s22+$0x80];
	[tilespmem:v46+s14+$0x0] =	vst.idx.msk $0xffff, v59  }
0x2b: {  	s24 =	simm.s32 $0x8;
	v61 =	vmul.f32 $8.000000000e+00, v47;
	[tilespmem:v58+s14+$0x0] =	vst.idx.msk $0xffff, v43;
	v43 =	vadd.s32 v30, v33;
	v44 =	vld [tilespmem:s22+$0xD0]  }
0x2c: {  	v60 =	vmov s24;
	v41 =	vmul.f32 $8.000000000e+00, v49;
	v47 =	vadd.s32 v18, v34;
	[tilespmem:v48+s14+$0x0] =	vst.idx.msk $0xffff, v45;
	v46 =	vld [tilespmem:s22+$0xFFFFFF10]  }
0x2d: {  	v42 =	vshrl.u32 v60, $0x3;
	v60 =	vmul.f32 $8.000000000e+00, v51;
	[tilespmem:v50+s14+$0x0] =	vst.idx.msk $0xffff, v61;
	v50 =	vadd.s32 v16, v6;
	v49 =	vld [tilespmem:s22+$0xFFFFFF50]  }
0x2e: {  	v31 =	vmov v57;
	v56 =	vadd.s32 v12, v10;
	[tilespmem:v52+s14+$0x0] =	vst.idx.msk $0xffff, v41;
	v61 =	vmul.f32 $8.000000000e+00, v53;
	v57 =	vld [tilespmem:s22+$0xFFFFFF90]  }
0x2f: {  	v53 =	vadd.s32 v9, v11;
	[tilespmem:v54+s14+$0x0] =	vst.idx.msk $0xffff, v60;
	v58 =	vld [tilespmem:s22+$0xFFFFFFD0];
	v38 =	vmul.f32 $8.000000000e+00, v55  }
0x30: {  	v59 =	vld [tilespmem:s22+$0x10];
	v55 =	vadd.s32 v7, v37;
	[tilespmem:v43+s14+$0x0] =	vst.idx.msk $0xffff, v61;
	v43 =	vmul.f32 $8.000000000e+00, v44  }
0x31: {  	[tilespmem:v47+s14+$0x0] =	vst.idx.msk $0xffff, v38;
	v45 =	vmul.f32 $8.000000000e+00, v46;
	v46 =	vadd.s32 v13, v36;
	v60 =	vld [tilespmem:s22+$0x50]  }
0x32: {  	v39 =	vmul.f32 $8.000000000e+00, v49;
	v49 =	vadd.s32 v21, v35;
	v61 =	vld [tilespmem:s22+$0x90];
	[tilespmem:v50+s14+$0x0] =	vst.idx.msk $0xffff, v43  }
0x33: {  	v0 =	vmov v62;
	v62 =	vmul.f32 $8.000000000e+00, v57;
	[tilespmem:v56+s14+$0x0] =	vst.idx.msk $0xffff, v45;
	v45 =	vadd.s32 v25, v33;
	v50 =	vld [tilespmem:s22+$0xE0]  }
0x34: {  	[tilespmem:v53+s14+$0x0] =	vst.idx.msk $0xffff, v39;
	v39 =	vmul.f32 $8.000000000e+00, v58;
	v53 =	vadd.s32 v29, v34;
	v56 =	vld [tilespmem:s22+$0xFFFFFF20]  }
0x35: {  	v43 =	vshll.u32 v42, v1;
	[tilespmem:v55+s14+$0x0] =	vst.idx.msk $0xffff, v62;
	v42 =	vmul.f32 $8.000000000e+00, v59;
	v55 =	vadd.s32 v3, v6;
	v57 =	vld [tilespmem:s22+$0xFFFFFF60]  }
0x36: {  	s30 =	simm.s32 $0xD;
	v58 =	vadd.s32 v5, v10;
	v59 =	vld [tilespmem:s22+$0xFFFFFFA0];
	[tilespmem:v46+s14+$0x0] =	vst.idx.msk $0xffff, v39;
	v46 =	vmul.f32 $8.000000000e+00, v60  }
0x37: {  	v23 =	vmovc v63;
	v44 =	vmov s30;
	v62 =	vadd.s32 v17, v11;
	[tilespmem:v49+s14+$0x0] =	vst.idx.msk $0xffff, v42;
	v47 =	vmul.f32 $8.000000000e+00, v61;
	v63 =	vld [tilespmem:s22+$0xFFFFFFE0]  }
0x38: {  	s31 =	simm.s32 $0xE;
	v61 =	vshrl.u32 v44, $0x3;
	v49 =	vadd.s32 v22, v37;
	[tilespmem:v45+s14+$0x0] =	vst.idx.msk $0xffff, v46;
	v44 =	vmul.f32 $8.000000000e+00, v50  }
0x39: {  	v38 =	vmov s31;
	[tilespmem:v53+s14+$0x0] =	vst.idx.msk $0xffff, v47;
	v50 =	vmul.f32 $8.000000000e+00, v56;
	v56 =	vadd.s32 v0, v36  }
0x3a: {  	v42 =	vshrl.u32 v38, $0x3;
	v38 =	vbroadcast v43, $0x0;
	v39 =	vld [tilespmem:s22+$0x20];
	v43 =	vmul.f32 $8.000000000e+00, v57;
	[tilespmem:v55+s14+$0x0] =	vst.idx.msk $0xffff, v44  }
0x3b: {  	s25 =	simm.s32 $0x9;
	s26 =	simm.s32 $0xA;
	v40 =	vld [tilespmem:s22+$0x60];
	v46 =	vmul.f32 $8.000000000e+00, v59;
	[tilespmem:v58+s14+$0x0] =	vst.idx.msk $0xffff, v50  }
0x3c: {  	v51 =	vmov s26;
	v48 =	vmov s25;
	v60 =	vld [tilespmem:s22+$0xA0];
	[tilespmem:v62+s14+$0x0] =	vst.idx.msk $0xffff, v43;
	v62 =	vmul.f32 $8.000000000e+00, v63  }
0x3d: {  	v4 =	vmovc v3;
	v51 =	vshrl.u32 v51, $0x3;
	v48 =	vshrl.u32 v48, $0x3;
	v3 =	vmov v7;
	v59 =	vld [tilespmem:$0x1FF80];
	[tilespmem:v49+s14+$0x0] =	vst.idx.msk $0xffff, v46  }
0x3e: {  	s28 =	simm.s32 $0xB;
	v7 =	vmovc v22;
	v22 =	vmov v17;
	v17 =	vmov v0;
	v57 =	vadd.s32 v19, v35;
	v0 =	vld [tilespmem:$0x1FF10];
	[tilespmem:v56+s14+$0x0] =	vst.idx.msk $0xffff, v62  }
0x3f: {  	s29 =	simm.s32 $0xC;
	v52 =	vmov s28;
	v47 =	vshll.u32 v48, v1;
	v48 =	vadd.s32 v2, v10;
	v10 =	vld [tilespmem:$0x1FFF0]  }
0x40: {  	v54 =	vmov s29;
	v52 =	vshrl.u32 v52, $0x3;
	v55 =	vld [tilespmem:s22+$0xF0];
	v63 =	vmul.f32 $8.000000000e+00, v39  }
0x41: {  	v41 =	vshrl.u32 v54, $0x3;
	v54 =	vadd.s32 v14, v33;
	v45 =	vshll.u32 v52, v1;
	v50 =	vld [tilespmem:s22+$0xFFFFFF30]  }
0x42: {  	v44 =	vshll.u32 v51, v1;
	v43 =	vshll.u32 v61, v1;
	v52 =	vld [tilespmem:s22+$0xFFFFFF70];
	v46 =	vshll.u32 v41, v1  }
0x43: {  	v49 =	vld [tilespmem:s22+$0xFFFFFFB0];
	v39 =	vmul.f32 $8.000000000e+00, v40;
	v40 =	vmul.f32 $8.000000000e+00, v60;
	[tilespmem:v57+s14+$0x0] =	vst.idx.msk $0xffff, v63;
	v51 =	vadd.s32 v59, v34  }
0x44: {  	s21 =	sshll.u32 s20, $0xA;
	s23 =	simm.s32 $0x10;
	s24 =	simm.s32 $0xF;
	v56 =	vld [tilespmem:s22+$0xFFFFFFF0];
	v63 =	vmovc v2;
	v53 =	vadd.s32 v0, v6;
	v41 =	vadd.s32 v10, v11;
	v11 =	vmovc v7;
	v7 =	vmov v59  }
.LBB2_3:
0x45: {  	_ = 	snop  }
0x46: {  	v57 =	vmov s24;
	v58 =	vld [tilespmem:s22+$0x30]  }
0x47: {  	v37 =	vadd.s32 v32, v37;
	v36 =	vadd.s32 v8, v36;
	v0 =	vld [tilespmem:$0x1FFE0];
	[tilespmem:v54+s14+$0x0] =	vst.idx.msk $0xffff, v39;
	v59 =	vmul.f32 $8.000000000e+00, v55  }
0x48: {  	v35 =	vadd.s32 v31, v35;
	v60 =	vshrl.u32 v57, $0x3;
	[tilespmem:v51+s14+$0x0] =	vst.idx.msk $0xffff, v40;
	v61 =	vld [tilespmem:s22+$0x70];
	v50 =	vmul.f32 $8.000000000e+00, v50  }
0x49: {  	v39 =	vmov v38;
	v38 =	vshll.u32 v60, v1;
	v62 =	vmul.f32 $8.000000000e+00, v52;
	v52 =	vld [tilespmem:s22+$0xB0];
	s22 =	sadd.s32 $0x200, s22;
	[tilespmem:v53+s14+$0x0] =	vst.idx.msk $0xffff, v59  }
0x4a: {  	v33 =	vadd.s32 v27, v33;
	v40 =	vbroadcast v38, $0x0;
	v54 =	vmul.f32 $8.000000000e+00, v49;
	[tilespmem:v48+s14+$0x0] =	vst.idx.msk $0xffff, v50;
	v53 =	vld [tilespmem:s22+$0xC0]  }
0x4b: {  	v42 =	vshll.u32 v42, v1;
	v34 =	vadd.s32 v20, v34;
	v57 =	vmul.f32 $8.000000000e+00, v56;
	[tilespmem:v41+s14+$0x0] =	vst.idx.msk $0xffff, v62;
	v48 =	vld [tilespmem:s22+$0xFFFFFF00]  }
0x4c: {  	v60 =	vmul.f32 $8.000000000e+00, v58;
	v41 =	vbroadcast v47, $0x0;
	v47 =	vadd.s32 v15, v40;
	[tilespmem:v37+s14+$0x0] =	vst.idx.msk $0xffff, v54;
	v59 =	vld [tilespmem:s22+$0xFFFFFF40]  }
0x4d: {  	v51 =	vadd.s32 v23, v39;
	v37 =	vbroadcast v44, $0x0;
	[tilespmem:v36+s14+$0x0] =	vst.idx.msk $0xffff, v57;
	v54 =	vld [tilespmem:s22+$0xFFFFFF80];
	v61 =	vmul.f32 $8.000000000e+00, v61  }
0x4e: {  	v36 =	vbroadcast v45, $0x0;
	v62 =	vld [tilespmem:s22+$0xFFFFFFC0];
	[tilespmem:v35+s14+$0x0] =	vst.idx.msk $0xffff, v60;
	v49 =	vadd.s32 v24, v41;
	v56 =	vmul.f32 $8.000000000e+00, v52  }
0x4f: {  	v35 =	vbroadcast v46, $0x0;
	v45 =	vadd.s32 v28, v37;
	v52 =	vld [tilespmem:s22+$0x0];
	[tilespmem:v33+s14+$0x0] =	vst.idx.msk $0xffff, v61;
	v57 =	vmul.f32 $8.000000000e+00, v53  }
0x50: {  	v33 =	vbroadcast v43, $0x0;
	[tilespmem:v34+s14+$0x0] =	vst.idx.msk $0xffff, v56;
	v58 =	vmul.f32 $8.000000000e+00, v48;
	v48 =	vadd.s32 v0, v36;
	v53 =	vld [tilespmem:s22+$0x40]  }
0x51: {  	v43 =	vadd.s32 v26, v35;
	v34 =	vbroadcast v42, $0x0;
	v59 =	vmul.f32 $8.000000000e+00, v59;
	v50 =	vld [tilespmem:s22+$0x80];
	[tilespmem:v47+s14+$0x0] =	vst.idx.msk $0xffff, v57  }
0x52: {  	v46 =	vadd.s32 v30, v33;
	v61 =	vmul.f32 $8.000000000e+00, v54;
	[tilespmem:v51+s14+$0x0] =	vst.idx.msk $0xffff, v58;
	v47 =	vld [tilespmem:s22+$0xD0]  }
0x53: {  	v60 =	vmov s23;
	v62 =	vmul.f32 $8.000000000e+00, v62;
	[tilespmem:v49+s14+$0x0] =	vst.idx.msk $0xffff, v59;
	v49 =	vadd.s32 v18, v34;
	v51 =	vld [tilespmem:s22+$0xFFFFFF10]  }
0x54: {  	v42 =	vshrl.u32 v60, $0x3;
	[tilespmem:v45+s14+$0x0] =	vst.idx.msk $0xffff, v61;
	v60 =	vmul.f32 $8.000000000e+00, v52;
	v45 =	vadd.s32 v16, v40;
	v55 =	vld [tilespmem:s22+$0xFFFFFF50]  }
0x55: {  	v56 =	vadd.s32 v12, v39;
	v57 =	vld [tilespmem:s22+$0xFFFFFF90];
	[tilespmem:v48+s14+$0x0] =	vst.idx.msk $0xffff, v62;
	v61 =	vmul.f32 $8.000000000e+00, v53  }
0x56: {  	[tilespmem:v43+s14+$0x0] =	vst.idx.msk $0xffff, v60;
	v53 =	vadd.s32 v9, v41;
	v43 =	vmul.f32 $8.000000000e+00, v50;
	v58 =	vld [tilespmem:s22+$0xFFFFFFD0]  }
0x57: {  	v50 =	vadd.s32 v3, v37;
	[tilespmem:v46+s14+$0x0] =	vst.idx.msk $0xffff, v61;
	v38 =	vmul.f32 $8.000000000e+00, v47  }
0x58: {  	s29 =	sadd.s32 $0x4, s23;
	v59 =	vld [tilespmem:s22+$0x10];
	[tilespmem:v49+s14+$0x0] =	vst.idx.msk $0xffff, v43;
	v47 =	vmul.f32 $8.000000000e+00, v51;
	v51 =	vadd.s32 v13, v36  }
0x59: {  	v44 =	vmov s29;
	v60 =	vld [tilespmem:s22+$0x50];
	v49 =	vmul.f32 $8.000000000e+00, v55;
	[tilespmem:v45+s14+$0x0] =	vst.idx.msk $0xffff, v38  }
0x5a: {  	s25 =	sadd.s32 $0x1, s23;
	v55 =	vadd.s32 v21, v35;
	v61 =	vld [tilespmem:s22+$0x90];
	v38 =	vshll.u32 v42, v1;
	[tilespmem:v56+s14+$0x0] =	vst.idx.msk $0xffff, v47;
	v42 =	vmul.f32 $8.000000000e+00, v57  }
0x5b: {  	s26 =	sadd.s32 $0x2, s23;
	v54 =	vmov s25;
	v45 =	vadd.s32 v25, v33;
	[tilespmem:v53+s14+$0x0] =	vst.idx.msk $0xffff, v49;
	v47 =	vld [tilespmem:s22+$0xE0];
	v62 =	vmul.f32 $8.000000000e+00, v58  }
0x5c: {  	v54 =	vshrl.u32 v54, $0x3;
	v52 =	vmov s26;
	v53 =	vadd.s32 v29, v34;
	v56 =	vld [tilespmem:s22+$0xFFFFFF20];
	[tilespmem:v50+s14+$0x0] =	vst.idx.msk $0xffff, v42  }
0x5d: {  	s30 =	sadd.s32 $0x5, s23;
	v52 =	vshrl.u32 v52, $0x3;
	v57 =	vld [tilespmem:s22+$0xFFFFFF60];
	v42 =	vmul.f32 $8.000000000e+00, v59;
	v50 =	vadd.s32 v4, v40;
	[tilespmem:v51+s14+$0x0] =	vst.idx.msk $0xffff, v62  }
0x5e: {  	s31 =	sadd.s32 $0x6, s23;
	v46 =	vmov s30;
	v58 =	vadd.s32 v5, v39;
	v49 =	vmul.f32 $8.000000000e+00, v60;
	v62 =	vld [tilespmem:s22+$0xFFFFFFE0]  }
0x5f: {  	v43 =	vmov s31;
	v59 =	vld [tilespmem:s22+$0xFFFFFFA0];
	v60 =	vshrl.u32 v44, $0x3;
	v44 =	vmul.f32 $8.000000000e+00, v61;
	[tilespmem:v55+s14+$0x0] =	vst.idx.msk $0xffff, v42  }
0x60: {  	v6 =	vmovc v63;
	v51 =	vadd.s32 v22, v41;
	v61 =	vshrl.u32 v46, $0x3;
	v63 =	vld [tilespmem:s22+$0x20];
	[tilespmem:v45+s14+$0x0] =	vst.idx.msk $0xffff, v49;
	v45 =	vmul.f32 $8.000000000e+00, v47  }
0x61: {  	s28 =	sadd.s32 $0x3, s23;
	v46 =	vadd.s32 v11, v37;
	v42 =	vshrl.u32 v43, $0x3;
	[tilespmem:v53+s14+$0x0] =	vst.idx.msk $0xffff, v44;
	v43 =	vmul.f32 $8.000000000e+00, v56;
	v0 =	vld [tilespmem:s22+$0x60]  }
0x62: {  	v48 =	vmov s28;
	v41 =	vadd.s32 v10, v41;
	v56 =	vadd.s32 v17, v36;
	v2 =	vld [tilespmem:s22+$0xA0];
	[tilespmem:v50+s14+$0x0] =	vst.idx.msk $0xffff, v45  }
0x63: {  	p1 =	slt.u32 s23, $0x78;
	v49 =	vmul.f32 $8.000000000e+00, v57;
	v57 =	vadd.s32 v19, v35;
	[tilespmem:v58+s14+$0x0] =	vst.idx.msk $0xffff, v43;
	v58 =	vmul.f32 $8.000000000e+00, v62;
	v62 =	vld [tilespmem:$0x1FF10]  }
.Ltmp0:
0x64: {  	v44 =	vshll.u32 v52, v1;
	v47 =	vshll.u32 v54, v1;
	v43 =	vmul.f32 $8.000000000e+00, v59;
	v55 =	vld [tilespmem:s22+$0xF0];
	(pc) =	sbr.rel @p1 .LBB2_3-.Ltmp0, $4  }
0x65: {  	v48 =	vshrl.u32 v48, $0x3;
	v54 =	vadd.s32 v14, v33;
	[tilespmem:v51+s14+$0x0] =	vst.idx.msk $0xffff, v49;
	v51 =	vadd.s32 v7, v34;
	v50 =	vld [tilespmem:s22+$0xFFFFFF30]  }
0x66: {  	v45 =	vshll.u32 v48, v1;
	v48 =	vadd.s32 v6, v39;
	v52 =	vld [tilespmem:s22+$0xFFFFFF70];
	[tilespmem:v46+s14+$0x0] =	vst.idx.msk $0xffff, v43;
	v59 =	vmul.f32 $8.000000000e+00, v63  }
0x67: {  	v38 =	vbroadcast v38, $0x0;
	v46 =	vshll.u32 v60, v1;
	v43 =	vshll.u32 v61, v1;
	v49 =	vld [tilespmem:s22+$0xFFFFFFB0];
	[tilespmem:v56+s14+$0x0] =	vst.idx.msk $0xffff, v58  }
0x68: {  	s24 =	sadd.s32 $0x7, s23;
	s23 =	sadd.s32 $0x8, s23;
	v63 =	vmovc v6;
	v39 =	vmul.f32 $8.000000000e+00, v0;
	v56 =	vld [tilespmem:s22+$0xFFFFFFF0];
	[tilespmem:v57+s14+$0x0] =	vst.idx.msk $0xffff, v59;
	v53 =	vadd.s32 v62, v40;
	v40 =	vmul.f32 $8.000000000e+00, v2  }
0x69: {  	_ =	sdelay $0x3  }
0x6a: {  	v2 =	vadd.s32 v32, v37;
	v60 =	vld [tilespmem:s22+$0x30];
	v61 =	vmul.f32 $8.000000000e+00, v55;
	[tilespmem:v54+s14+$0x0] =	vst.idx.msk $0xffff, v39  }
0x6b: {  	v36 =	vadd.s32 v8, v36;
	v50 =	vmul.f32 $8.000000000e+00, v50;
	[tilespmem:v51+s14+$0x0] =	vst.idx.msk $0xffff, v40;
	v54 =	vld [tilespmem:s22+$0x70]  }
0x6c: {  	v35 =	vadd.s32 v31, v35;
	v55 =	vmul.f32 $8.000000000e+00, v52;
	[tilespmem:v53+s14+$0x0] =	vst.idx.msk $0xffff, v61  }
0x6d: {  	v33 =	vadd.s32 v27, v33;
	[tilespmem:v48+s14+$0x0] =	vst.idx.msk $0xffff, v50;
	v57 =	vmul.f32 $8.000000000e+00, v49  }
0x6e: {  	v0 =	vmov s24;
	[tilespmem:v41+s14+$0x0] =	vst.idx.msk $0xffff, v55;
	v59 =	vmul.f32 $8.000000000e+00, v56  }
0x6f: {  	s24 =	sadd.s32 $0x200, s22;
	v0 =	vshrl.u32 v0, $0x3;
	[tilespmem:v2+s14+$0x0] =	vst.idx.msk $0xffff, v57;
	v2 =	vmul.f32 $8.000000000e+00, v60  }
0x70: {  	v39 =	vld [tilespmem:s24+$0xC0];
	v0 =	vshll.u32 v0, v1;
	[tilespmem:v36+s14+$0x0] =	vst.idx.msk $0xffff, v59;
	v60 =	vmul.f32 $8.000000000e+00, v54  }
0x71: {  	v51 =	vld [tilespmem:s22+$0xB0];
	v0 =	vbroadcast v0, $0x0;
	[tilespmem:v35+s14+$0x0] =	vst.idx.msk $0xffff, v2  }
0x72: {  	v58 =	vld [tilespmem:s24+$0xFFFFFF00];
	[tilespmem:v33+s14+$0x0] =	vst.idx.msk $0xffff, v60  }
0x73: {  	v34 =	vadd.s32 v20, v34;
	v50 =	vadd.s32 v15, v0;
	v15 =	vld [tilespmem:$0x1FFE0]  }
0x74: {  	v47 =	vbroadcast v47, $0x0;
	v37 =	vadd.s32 v23, v38;
	v41 =	vld [tilespmem:s24+$0xFFFFFF40]  }
0x75: {  	v42 =	vshll.u32 v42, v1;
	v44 =	vbroadcast v44, $0x0;
	v48 =	vld [tilespmem:s24+$0xFFFFFF80]  }
0x76: {  	v45 =	vbroadcast v45, $0x0;
	v40 =	vadd.s32 v24, v47;
	v61 =	vld [tilespmem:s24+$0xFFFFFFC0];
	v2 =	vmul.f32 $8.000000000e+00, v51  }
0x77: {  	v46 =	vbroadcast v46, $0x0;
	v55 =	vadd.s32 v28, v44;
	v56 =	vld [tilespmem:s24+$0x0];
	v57 =	vmul.f32 $8.000000000e+00, v58  }
0x78: {  	v43 =	vbroadcast v43, $0x0;
	v39 =	vmul.f32 $8.000000000e+00, v39;
	v59 =	vld [tilespmem:s24+$0x40];
	[tilespmem:v34+s14+$0x0] =	vst.idx.msk $0xffff, v2;
	v58 =	vadd.s32 v15, v45  }
0x79: {  	v42 =	vbroadcast v42, $0x0;
	v2 =	vmul.f32 $8.000000000e+00, v41;
	v34 =	vadd.s32 v26, v46;
	v41 =	vld [tilespmem:s24+$0x80];
	[tilespmem:v37+s14+$0x0] =	vst.idx.msk $0xffff, v57  }
0x7a: {  	v60 =	vmul.f32 $8.000000000e+00, v48;
	[tilespmem:v50+s14+$0x0] =	vst.idx.msk $0xffff, v39;
	v37 =	vadd.s32 v30, v43;
	v48 =	vld [tilespmem:s24+$0xFFFFFF10]  }
0x7b: {  	v39 =	vld [tilespmem:s24+$0xD0];
	[tilespmem:v40+s14+$0x0] =	vst.idx.msk $0xffff, v2;
	v2 =	vmul.f32 $8.000000000e+00, v61;
	v40 =	vadd.s32 v18, v42  }
0x7c: {  	v51 =	vadd.s32 v12, v38;
	[tilespmem:v55+s14+$0x0] =	vst.idx.msk $0xffff, v60;
	v61 =	vmul.f32 $8.000000000e+00, v56;
	v50 =	vld [tilespmem:s24+$0xFFFFFF50]  }
0x7d: {  	v35 =	vadd.s32 v16, v0;
	v52 =	vld [tilespmem:s24+$0xFFFFFF90];
	[tilespmem:v58+s14+$0x0] =	vst.idx.msk $0xffff, v2;
	v2 =	vmul.f32 $8.000000000e+00, v59  }
0x7e: {  	v36 =	vadd.s32 v9, v47;
	[tilespmem:v34+s14+$0x0] =	vst.idx.msk $0xffff, v61;
	v55 =	vmul.f32 $8.000000000e+00, v41;
	v49 =	vld [tilespmem:s24+$0xFFFFFFD0]  }
0x7f: {  	v60 =	vadd.s32 v3, v44;
	v61 =	vld [tilespmem:s24+$0x10];
	v53 =	vmul.f32 $8.000000000e+00, v48;
	[tilespmem:v37+s14+$0x0] =	vst.idx.msk $0xffff, v2  }
0x80: {  	[tilespmem:v40+s14+$0x0] =	vst.idx.msk $0xffff, v55;
	v2 =	vmul.f32 $8.000000000e+00, v39;
	v39 =	vadd.s32 v13, v45;
	v48 =	vld [tilespmem:s24+$0x50]  }
0x81: {  	v40 =	vadd.s32 v21, v46;
	v55 =	vmul.f32 $8.000000000e+00, v50;
	v50 =	vld [tilespmem:s24+$0x90];
	[tilespmem:v51+s14+$0x0] =	vst.idx.msk $0xffff, v53  }
0x82: {  	v51 =	vld [tilespmem:s24+$0xFFFFFF20];
	[tilespmem:v35+s14+$0x0] =	vst.idx.msk $0xffff, v2;
	v2 =	vmul.f32 $8.000000000e+00, v52;
	v35 =	vadd.s32 v25, v43  }
0x83: {  	[tilespmem:v36+s14+$0x0] =	vst.idx.msk $0xffff, v55;
	v36 =	vadd.s32 v29, v42;
	v58 =	vld [tilespmem:s24+$0xE0];
	v59 =	vmul.f32 $8.000000000e+00, v49  }
0x84: {  	v41 =	vadd.s32 v5, v38;
	v49 =	vld [tilespmem:s24+$0xFFFFFF60];
	[tilespmem:v60+s14+$0x0] =	vst.idx.msk $0xffff, v2;
	v2 =	vmul.f32 $8.000000000e+00, v61  }
0x85: {  	v34 =	vadd.s32 v4, v0;
	v61 =	vld [tilespmem:s24+$0xFFFFFFA0];
	[tilespmem:v39+s14+$0x0] =	vst.idx.msk $0xffff, v59;
	v53 =	vmul.f32 $8.000000000e+00, v48  }
0x86: {  	v39 =	vadd.s32 v22, v47;
	[tilespmem:v40+s14+$0x0] =	vst.idx.msk $0xffff, v2;
	v2 =	vmul.f32 $8.000000000e+00, v50;
	v55 =	vld [tilespmem:s24+$0xFFFFFFE0]  }
0x87: {  	v40 =	vadd.s32 v11, v44;
	v59 =	vmul.f32 $8.000000000e+00, v51;
	v50 =	vld [tilespmem:s24+$0x20];
	[tilespmem:v35+s14+$0x0] =	vst.idx.msk $0xffff, v53  }
0x88: {  	v37 =	vadd.s32 v17, v45;
	v58 =	vmul.f32 $8.000000000e+00, v58;
	[tilespmem:v36+s14+$0x0] =	vst.idx.msk $0xffff, v2;
	v51 =	vld [tilespmem:s24+$0x60]  }
0x89: {  	v56 =	vmovc v9;
	v9 =	vmov v14;
	v36 =	vadd.s32 v19, v46;
	[tilespmem:v41+s14+$0x0] =	vst.idx.msk $0xffff, v59;
	v2 =	vmul.f32 $8.000000000e+00, v49;
	v49 =	vld [tilespmem:s24+$0xA0]  }
0x8a: {  	v52 =	vadd.s32 v9, v43;
	v41 =	vld [tilespmem:s24+$0xFFFFFF30];
	[tilespmem:v34+s14+$0x0] =	vst.idx.msk $0xffff, v58;
	v61 =	vmul.f32 $8.000000000e+00, v61  }
0x8b: {  	v53 =	vld [tilespmem:s24+$0xF0];
	[tilespmem:v39+s14+$0x0] =	vst.idx.msk $0xffff, v2;
	v2 =	vmul.f32 $8.000000000e+00, v55;
	v55 =	vadd.s32 v7, v42  }
0x8c: {  	v38 =	vadd.s32 v63, v38;
	v58 =	vld [tilespmem:s24+$0xFFFFFF70];
	[tilespmem:v40+s14+$0x0] =	vst.idx.msk $0xffff, v61;
	v59 =	vmul.f32 $8.000000000e+00, v50  }
0x8d: {  	v0 =	vadd.s32 v62, v0;
	v40 =	vld [tilespmem:s24+$0xFFFFFFB0];
	[tilespmem:v37+s14+$0x0] =	vst.idx.msk $0xffff, v2;
	v2 =	vmul.f32 $8.000000000e+00, v51  }
0x8e: {  	v61 =	vadd.s32 v10, v47;
	[tilespmem:v36+s14+$0x0] =	vst.idx.msk $0xffff, v59;
	v63 =	vmul.f32 $8.000000000e+00, v49;
	v62 =	vld [tilespmem:s24+$0xFFFFFFF0]  }
0x8f: {  	v49 =	vadd.s32 v32, v44;
	v51 =	vmul.f32 $8.000000000e+00, v41;
	v50 =	vld [tilespmem:s24+$0x30];
	[tilespmem:v52+s14+$0x0] =	vst.idx.msk $0xffff, v2  }
0x90: {  	v2 =	vmul.f32 $8.000000000e+00, v53;
	v52 =	vadd.s32 v8, v45;
	v53 =	vld [tilespmem:s24+$0x70];
	[tilespmem:v55+s14+$0x0] =	vst.idx.msk $0xffff, v63  }
0x91: {  	[tilespmem:v38+s14+$0x0] =	vst.idx.msk $0xffff, v51;
	v55 =	vmul.f32 $8.000000000e+00, v58;
	v58 =	vadd.s32 v31, v46;
	v59 =	vld [tilespmem:s24+$0xB0]  }
0x92: {  	[tilespmem:v0+s14+$0x0] =	vst.idx.msk $0xffff, v2;
	v0 =	vmul.f32 $8.000000000e+00, v40;
	v2 =	vadd.s32 v27, v43  }
0x93: {  	[tilespmem:v61+s14+$0x0] =	vst.idx.msk $0xffff, v55;
	v61 =	vmul.f32 $8.000000000e+00, v62;
	v62 =	vadd.s32 v20, v42  }
0x94: {  	[tilespmem:v49+s14+$0x0] =	vst.idx.msk $0xffff, v0;
	v0 =	vmul.f32 $8.000000000e+00, v50  }
0x95: {  	[tilespmem:v52+s14+$0x0] =	vst.idx.msk $0xffff, v61;
	v63 =	vmul.f32 $8.000000000e+00, v53  }
0x96: {  	p1 =	seq.s32 s20, $0x63;
	[tilespmem:v58+s14+$0x0] =	vst.idx.msk $0xffff, v0;
	v0 =	vmul.f32 $8.000000000e+00, v59  }
0x97: {  	s25 =	sshll.u32 s20, $0x10;
	s21 =	sshrl.u32 @!p1 s21, $0x2;
	[tilespmem:v2+s14+$0x0] =	vst.idx.msk $0xffff, v63  }
0x98: {  	s23 =	simm.s32 @!p1 $0x80;
	s22 =	sadd.s32 @!p1 $0x100, s21;
	s24 =	simm.s32 @!p1 $0x6400;
	[tilespmem:v62+s14+$0x0] =	vst.idx.msk $0xffff, v0  }
0x99: {  	[tilespmem:s24], [sflag:$0x1] =	stream.indirect.gather @!p1 [hbm4b:s4+s23], $0x40, s22, s23, $0xb8;
	[tilespmem:$0xE800] =	vst v63  }
0x9a: {  	s22 =	sor.u32 s6, s25  }
0x9b: {  	s26 =	simm.s32 $0xA400;
	s24 =	sadd.s32 s1, s22  }
0x9c: {  	[hbm4b:s24+s3] =	stream.linear.scatter [tilespmem:s26], [sflag:$0x3], $0x80, $0x38;
	[tilespmem:$0xE800] =	vst v63  }
0x9d: {  	s29 =	simm.s32 $0xA488;
	s25 =	sadd.s32 $0x10, s24  }
0x9e: {  	[hbm4b:s25+s3] =	stream.linear.scatter [tilespmem:s29], [sflag:$0x3], $0x80, $0x38;
	[tilespmem:$0xE800] =	vst v63  }
0x9f: {  	s30 =	simm.s32 $0xA510;
	s23 =	simm.s32 $0x440;
	s31 =	sadd.s32 $0x20, s24  }
0xa0: {  	[hbm4b:s31+s3] =	stream.linear.scatter [tilespmem:s30], [sflag:$0x3], $0x80, $0x38;
	[tilespmem:$0xE800] =	vst v63  }
0xa1: {  	s26 =	simm.s32 $0xA598;
	s28 =	sadd.s32 $0x70, s24;
	s29 =	sadd.s32 $0x30, s24  }
0xa2: {  	[hbm4b:s29+s3] =	stream.linear.scatter [tilespmem:s26], [sflag:$0x3], $0x80, $0x38;
	[tilespmem:$0xE800] =	vst v63  }
0xa3: {  	s25 =	simm.s32 $0x2200;
	s30 =	simm.s32 $0xA620;
	s31 =	sadd.s32 $0x40, s24  }
0xa4: {  	[hbm4b:s31+s3] =	stream.linear.scatter [tilespmem:s30], [sflag:$0x3], $0x80, $0x38;
	[tilespmem:$0xE800] =	vst v63  }
0xa5: {  	s26 =	simm.s32 $0xA6A8;
	s29 =	sadd.s32 $0x50, s24;
	s30 =	simm.s32 $0xA730  }
0xa6: {  	v54 =	vmov v16;
	v16 =	vmov v13;
	[hbm4b:s29+s3] =	stream.linear.scatter [tilespmem:s26], [sflag:$0x3], $0x80, $0x38;
	[tilespmem:$0xE800] =	vst v63  }
0xa7: {  	v57 =	vmovc v3;
	v26 =	vmovc v21;
	v3 =	vmov v12;
	v14 =	vmov v29;
	v21 =	vmov v25;
	s31 =	sadd.s32 $0x60, s24;
	s24 =	sadd.s32 $0x1000, s24;
	s26 =	simm.s32 $0xA7B8  }
0xa8: {  	v13 =	vmovc v11;
	v9 =	vmovc v22;
	v60 =	vmov v5;
	v19 =	vmov v10;
	v31 =	vmov v4;
	[hbm4b:s31+s3] =	stream.linear.scatter [tilespmem:s30], [sflag:$0x3], $0x80, $0x38;
	[tilespmem:$0xE800] =	vst v63  }
.LBB2_5:
0xa9: {  	[hbm4b:s28+s3] =	stream.linear.scatter [tilespmem:s26], [sflag:$0x3], $0x80, $0x38;
	[tilespmem:$0xE800] =	vst v63  }
0xaa: {  	s26 =	smov.u32 s23;
	s23 =	smov.u32 s25  }
0xab: {  	s29 =	sadd.s32 $0x1100, s25;
	s23 =	sshra.s32 s23, $0x2;
	s28 =	sadd.s32 $0xA400, s26  }
0xac: {  	[hbm4b:s24+s3] =	stream.linear.scatter [tilespmem:s28], [sflag:$0x3], $0x80, $0x38;
	[tilespmem:$0xE800] =	vst v63  }
0xad: {  	p2 =	sne.s32 s25, $0x7700;
	s25 =	sadd.s32 $0xA488, s26;
	s28 =	sadd.s32 $0x10, s24  }
0xae: {  	[hbm4b:s28+s3] =	stream.linear.scatter [tilespmem:s25], [sflag:$0x3], $0x80, $0x38;
	[tilespmem:$0xE800] =	vst v63  }
0xaf: {  	s25 =	sadd.s32 $0xA510, s26;
	s28 =	sadd.s32 $0x20, s24  }
0xb0: {  	[hbm4b:s28+s3] =	stream.linear.scatter [tilespmem:s25], [sflag:$0x3], $0x80, $0x38;
	[tilespmem:$0xE800] =	vst v63  }
0xb1: {  	s25 =	sadd.s32 $0xA598, s26;
	s28 =	sadd.s32 $0x30, s24  }
0xb2: {  	[hbm4b:s28+s3] =	stream.linear.scatter [tilespmem:s25], [sflag:$0x3], $0x80, $0x38;
	[tilespmem:$0xE800] =	vst v63  }
0xb3: {  	s25 =	sadd.s32 $0xA620, s26;
	s28 =	sadd.s32 $0x40, s24  }
0xb4: {  	[hbm4b:s28+s3] =	stream.linear.scatter [tilespmem:s25], [sflag:$0x3], $0x80, $0x38;
	[tilespmem:$0xE800] =	vst v63  }
.Ltmp1:
0xb5: {  	s25 =	sadd.s32 $0xA6A8, s26;
	s28 =	sadd.s32 $0x50, s24;
	(pc) =	sbr.rel @p2 .LBB2_5-.Ltmp1, $4  }
0xb6: {  	[hbm4b:s28+s3] =	stream.linear.scatter [tilespmem:s25], [sflag:$0x3], $0x80, $0x38;
	[tilespmem:$0xE800] =	vst v63  }
0xb7: {  	s25 =	sadd.s32 $0xA730, s26;
	s28 =	sadd.s32 $0x60, s24;
	s26 =	sadd.s32 $0xA7B8, s26  }
0xb8: {  	[hbm4b:s28+s3] =	stream.linear.scatter [tilespmem:s25], [sflag:$0x3], $0x80, $0x38;
	[tilespmem:$0xE800] =	vst v63  }
0xb9: {  	s28 =	sadd.s32 $0x70, s24;
	s24 =	sadd.s32 $0x1000, s24;
	s25 =	smov.u32 s29  }
0xba: {  	[hbm4b:s28+s3] =	stream.linear.scatter [tilespmem:s26], [sflag:$0x3], $0x80, $0x38;
	[tilespmem:$0xE800] =	vst v63  }
0xbb: {  	s25 =	sadd.s32 $0xA400, s23  }
0xbc: {  	[hbm4b:s24+s3] =	stream.linear.scatter [tilespmem:s25], [sflag:$0x3], $0x80, $0x38;
	[tilespmem:$0xE800] =	vst v63  }
0xbd: {  	s28 =	sadd.s32 $0xA488, s23;
	s29 =	sadd.s32 $0x10, s24  }
0xbe: {  	[hbm4b:s29+s3] =	stream.linear.scatter [tilespmem:s28], [sflag:$0x3], $0x80, $0x38;
	[tilespmem:$0xE800] =	vst v63  }
0xbf: {  	s30 =	sadd.s32 $0xA510, s23;
	s31 =	sadd.s32 $0x20, s24  }
0xc0: {  	[hbm4b:s31+s3] =	stream.linear.scatter [tilespmem:s30], [sflag:$0x3], $0x80, $0x38;
	[tilespmem:$0xE800] =	vst v63  }
0xc1: {  	s28 =	sadd.s32 $0xA598, s23;
	s29 =	sadd.s32 $0x30, s24  }
0xc2: {  	[hbm4b:s29+s3] =	stream.linear.scatter [tilespmem:s28], [sflag:$0x3], $0x80, $0x38;
	[tilespmem:$0xE800] =	vst v63  }
0xc3: {  	s30 =	sadd.s32 $0xA620, s23;
	s31 =	sadd.s32 $0x40, s24  }
0xc4: {  	[hbm4b:s31+s3] =	stream.linear.scatter [tilespmem:s30], [sflag:$0x3], $0x80, $0x38;
	[tilespmem:$0xE800] =	vst v63  }
0xc5: {  	s28 =	sadd.s32 $0xA6A8, s23;
	s29 =	sadd.s32 $0x50, s24  }
0xc6: {  	[hbm4b:s29+s3] =	stream.linear.scatter [tilespmem:s28], [sflag:$0x3], $0x80, $0x38;
	[tilespmem:$0xE800] =	vst v63  }
0xc7: {  	s30 =	sadd.s32 $0xA730, s23;
	s31 =	sadd.s32 $0x60, s24  }
0xc8: {  	[hbm4b:s31+s3] =	stream.linear.scatter [tilespmem:s30], [sflag:$0x3], $0x80, $0x38;
	[tilespmem:$0xE800] =	vst v63  }
0xc9: {  	s26 =	sadd.s32 $0x70, s24;
	s25 =	sadd.s32 $0xA7B8, s23  }
0xca: {  	[hbm4b:s26+s3] =	stream.linear.scatter [tilespmem:s25], [sflag:$0x3], $0x80, $0x38;
	[tilespmem:$0xE800] =	vst v63  }
0xcb: {  	_ =	swait.ge [sflag:s15], $0x2000  }
0xcc: {  	s28 =	simm.s32 $0x0;
	[sflag:s15] =	ssyncset.done $0x0  }
0xcd: {  	s30 =	simm.s32 $0x2;
	s26 =	simm.s32 @!p0 $0x4;
	[sflag:s15] =	ssyncadd.s32 $0xFFFFE000  }
0xce: {  	v0 =	vmov s28;
	v33 =	vmov s30;
	s30 =	simm.s32 $0x7;
	_ =	swait.ge @!p0 [sflag:s26], $0x2000  }
0xcf: {  	v0 =	vshrl.u32 v0, $0x3;
	v38 =	vmov s30;
	[sflag:s26] =	ssyncset.done @!p0 $0x0;
	v32 =	vld [tilespmem:$0x1FF90]  }
0xd0: {  	s23 =	simm.s32 $0x8500;
	s29 =	simm.s32 $0x1;
	v0 =	vshll.u32 v0, v1;
	v38 =	vshrl.u32 v38, $0x3;
	[sflag:s26] =	ssyncadd.s32 @!p0 $0xFFFFE000  }
0xd1: {  	v2 =	vmov s29;
	v39 =	vbroadcast v0, $0x0;
	v38 =	vshll.u32 v38, v1;
	v61 =	vld [tilespmem:s23+$0xFFFFFF00]  }
0xd2: {  	v2 =	vshrl.u32 v2, $0x3;
	v41 =	vbroadcast v38, $0x0;
	v0 =	vld [tilespmem:s23+$0xC0]  }
0xd3: {  	v2 =	vshll.u32 v2, v1;
	v45 =	vadd.s32 v23, v39  }
0xd4: {  	v20 =	vbroadcast v2, $0x0;
	v2 =	vadd.s32 v32, v41;
	_ =	sdelay $0x1  }
0xd5: {  	v38 =	vmul.f32 $8.000000000e+00, v61  }
0xd6: {  	v43 =	vld [tilespmem:s23+$0xFFFFFF40];
	v0 =	vmul.f32 $8.000000000e+00, v0  }
0xd7: {  	s28 =	simm.s32 $0x5;
	s29 =	simm.s32 $0x6;
	v7 =	vld [tilespmem:$0x1FF30];
	[tilespmem:v45+s16+$0x0] =	vst.idx.msk $0xffff, v38  }
0xd8: {  	s31 =	simm.s32 $0x3;
	v36 =	vmov s28;
	v37 =	vmov s29;
	v47 =	vadd.s32 v24, v20;
	[tilespmem:v2+s16+$0x0] =	vst.idx.msk $0xffff, v0  }
0xd9: {  	v34 =	vmov s31;
	v36 =	vshrl.u32 v36, $0x3;
	v42 =	vshrl.u32 v37, $0x3;
	v8 =	vld [tilespmem:$0x1FF50]  }
0xda: {  	s25 =	simm.s32 $0x4;
	v33 =	vshrl.u32 v33, $0x3;
	v34 =	vshrl.u32 v34, $0x3;
	v44 =	vshll.u32 v36, v1  }
0xdb: {  	v35 =	vmov s25;
	v33 =	vshll.u32 v33, v1;
	v46 =	vld [tilespmem:s23+$0xFFFFFF80];
	v43 =	vmul.f32 $8.000000000e+00, v43  }
0xdc: {  	v35 =	vshrl.u32 v35, $0x3;
	v37 =	vbroadcast v33, $0x0;
	v33 =	vbroadcast v44, $0x0;
	v48 =	vld [tilespmem:s23+$0xFFFFFFC0]  }
0xdd: {  	v34 =	vshll.u32 v34, v1;
	v35 =	vshll.u32 v35, v1;
	v50 =	vld [tilespmem:s23+$0x0];
	[tilespmem:v47+s16+$0x0] =	vst.idx.msk $0xffff, v43  }
0xde: {  	v49 =	vadd.s32 v28, v37;
	v35 =	vbroadcast v35, $0x0;
	v62 =	vadd.s32 v8, v33;
	v8 =	vld [tilespmem:$0x1FF70]  }
0xdf: {  	v36 =	vbroadcast v34, $0x0;
	v52 =	vld [tilespmem:s23+$0x40]  }
0xe0: {  	v42 =	vshll.u32 v42, v1;
	v53 =	vld [tilespmem:s23+$0x80];
	v44 =	vadd.s32 v7, v35  }
0xe1: {  	v34 =	vbroadcast v42, $0x0;
	v51 =	vadd.s32 v15, v36;
	v2 =	vmul.f32 $8.000000000e+00, v46;
	v45 =	vld [tilespmem:s23+$0xFFFFFF10]  }
0xe2: {  	v63 =	vld [tilespmem:s23+$0xD0]  }
0xe3: {  	v59 =	vmul.f32 $8.000000000e+00, v48;
	v48 =	vld [tilespmem:s23+$0xFFFFFF50];
	[tilespmem:v49+s16+$0x0] =	vst.idx.msk $0xffff, v2;
	v2 =	vmul.f32 $8.000000000e+00, v50;
	v46 =	vadd.s32 v8, v34  }
0xe4: {  	v49 =	vadd.s32 v54, v41  }
0xe5: {  	v29 =	vmovc v54;
	v12 =	vmov v57;
	v61 =	vmul.f32 $8.000000000e+00, v52;
	v54 =	vadd.s32 v3, v39;
	v55 =	vld [tilespmem:s23+$0xFFFFFF90];
	[tilespmem:v44+s16+$0x0] =	vst.idx.msk $0xffff, v2  }
0xe6: {  	v52 =	vadd.s32 v56, v20;
	[tilespmem:v51+s16+$0x0] =	vst.idx.msk $0xffff, v59;
	v2 =	vmul.f32 $8.000000000e+00, v53;
	v53 =	vadd.s32 v57, v37;
	v57 =	vld [tilespmem:s23+$0x10]  }
0xe7: {  	v8 =	vmov v56;
	v56 =	vld [tilespmem:s23+$0xFFFFFFD0];
	[tilespmem:v62+s16+$0x0] =	vst.idx.msk $0xffff, v61;
	v62 =	vmul.f32 $8.000000000e+00, v63  }
0xe8: {  	v63 =	vmul.f32 $8.000000000e+00, v45;
	v61 =	vmul.f32 $8.000000000e+00, v48;
	v48 =	vadd.s32 v26, v35;
	v58 =	vld [tilespmem:s23+$0x50];
	[tilespmem:v46+s16+$0x0] =	vst.idx.msk $0xffff, v2  }
0xe9: {  	v45 =	vadd.s32 v16, v36;
	[tilespmem:v49+s16+$0x0] =	vst.idx.msk $0xffff, v62;
	v59 =	vld [tilespmem:s23+$0x90]  }
0xea: {  	v43 =	vadd.s32 v21, v33;
	[tilespmem:v54+s16+$0x0] =	vst.idx.msk $0xffff, v63;
	v62 =	vmul.f32 $8.000000000e+00, v55  }
0xeb: {  	[tilespmem:v52+s16+$0x0] =	vst.idx.msk $0xffff, v61;
	v52 =	vadd.s32 v14, v34;
	v49 =	vld [tilespmem:s23+$0xE0];
	v38 =	vmul.f32 $8.000000000e+00, v57  }
0xec: {  	s28 =	simm.s32 $0xB;
	v54 =	vld [tilespmem:s23+$0xFFFFFF20];
	[tilespmem:v53+s16+$0x0] =	vst.idx.msk $0xffff, v62;
	v63 =	vmul.f32 $8.000000000e+00, v56  }
0xed: {  	v51 =	vmov s28;
	v55 =	vld [tilespmem:s23+$0xFFFFFF60];
	v53 =	vadd.s32 v31, v41;
	[tilespmem:v48+s16+$0x0] =	vst.idx.msk $0xffff, v38;
	v40 =	vmul.f32 $8.000000000e+00, v58  }
0xee: {  	s31 =	simm.s32 $0x8;
	s30 =	simm.s32 $0xD;
	v57 =	vshrl.u32 v51, $0x3;
	v51 =	vadd.s32 v60, v39;
	v56 =	vld [tilespmem:s23+$0xFFFFFFA0];
	[tilespmem:v45+s16+$0x0] =	vst.idx.msk $0xffff, v63;
	v38 =	vmul.f32 $8.000000000e+00, v59  }
0xef: {  	v42 =	vmov s30;
	v0 =	vmov s31;
	s31 =	simm.s32 $0xE;
	v61 =	vld [tilespmem:s23+$0x20];
	[tilespmem:v43+s16+$0x0] =	vst.idx.msk $0xffff, v40  }
0xf0: {  	v18 =	vmovc v60;
	v2 =	vmov s31;
	v58 =	vadd.s32 v9, v20;
	v60 =	vld [tilespmem:s23+$0xFFFFFFE0];
	v49 =	vmul.f32 $8.000000000e+00, v49;
	[tilespmem:v52+s16+$0x0] =	vst.idx.msk $0xffff, v38  }
0xf1: {  	v59 =	vshrl.u32 v42, $0x3;
	v42 =	vshrl.u32 v2, $0x3;
	v2 =	vmul.f32 $8.000000000e+00, v54;
	v22 =	vld [tilespmem:$0x1FF40]  }
0xf2: {  	s26 =	simm.s32 $0xA;
	v0 =	vshrl.u32 v0, $0x3;
	v62 =	vld [tilespmem:s23+$0x60];
	[tilespmem:v53+s16+$0x0] =	vst.idx.msk $0xffff, v49  }
0xf3: {  	v0 =	vshll.u32 v0, v1;
	v50 =	vmov s26;
	v48 =	vadd.s32 v13, v37;
	v40 =	vld [tilespmem:s23+$0xA0];
	[tilespmem:v51+s16+$0x0] =	vst.idx.msk $0xffff, v2  }
0xf4: {  	v25 =	vmovc v26;
	s29 =	simm.s32 $0xC;
	v50 =	vshrl.u32 v50, $0x3;
	v38 =	vbroadcast v0, $0x0;
	v0 =	vmul.f32 $8.000000000e+00, v55;
	v26 =	vld [tilespmem:$0x1FF60]  }
0xf5: {  	v44 =	vmov s29;
	v54 =	vadd.s32 v17, v36;
	v2 =	vmul.f32 $8.000000000e+00, v56;
	v56 =	vld [tilespmem:s23+$0xF0]  }
0xf6: {  	v46 =	vshrl.u32 v44, $0x3;
	v44 =	vshll.u32 v50, v1;
	v50 =	vld [tilespmem:s23+$0xFFFFFF30];
	[tilespmem:v58+s16+$0x0] =	vst.idx.msk $0xffff, v0;
	v63 =	vadd.s32 v22, v35  }
0xf7: {  	v30 =	vld [tilespmem:$0x1FF80]  }
0xf8: {  	v0 =	vmul.f32 $8.000000000e+00, v60;
	v52 =	vld [tilespmem:s23+$0xFFFFFF70];
	[tilespmem:v48+s16+$0x0] =	vst.idx.msk $0xffff, v2  }
0xf9: {  	v27 =	vmov v21;
	v2 =	vmul.f32 $8.000000000e+00, v61;
	v21 =	vld [tilespmem:$0x1FF10]  }
0xfa: {  	s25 =	simm.s32 $0x9;
	v49 =	vld [tilespmem:s23+$0xFFFFFFB0];
	[tilespmem:v54+s16+$0x0] =	vst.idx.msk $0xffff, v0  }
0xfb: {  	v47 =	vmov s25;
	v54 =	vld [tilespmem:s23+$0xFFFFFFF0];
	[tilespmem:v63+s16+$0x0] =	vst.idx.msk $0xffff, v2  }
0xfc: {  	v5 =	vmov v18;
	v47 =	vshrl.u32 v47, $0x3;
	v18 =	vld [tilespmem:$0x1FF20]  }
0xfd: {  	v11 =	vmov v28;
	v47 =	vshll.u32 v47, v1;
	v46 =	vshll.u32 v46, v1;
	v28 =	vld [tilespmem:$0x1FFA0]  }
0xfe: {  	v7 =	vmovc v24;
	v45 =	vshll.u32 v57, v1;
	v43 =	vshll.u32 v59, v1;
	v55 =	vadd.s32 v26, v33;
	v24 =	vld [tilespmem:$0x1FFB0]  }
0xff: {  	v4 =	vmovc v23;
	v48 =	vadd.s32 v6, v39;
	v53 =	vadd.s32 v21, v41;
	v41 =	vadd.s32 v19, v20;
	v20 =	vld [tilespmem:$0x1FFC0]  }
0x100: {  	v10 =	vmovc v19;
	s24 =	simm.s32 $0x10;
	v23 =	vmovc v3;
	s25 =	simm.s32 $0xF;
	v39 =	vmul.f32 $8.000000000e+00, v62;
	v40 =	vmul.f32 $8.000000000e+00, v40;
	v51 =	vadd.s32 v30, v34;
	v19 =	vld [tilespmem:$0x1FFD0]  }
.LBB2_7:
0x101: {  	_ = 	snop  }
0x102: {  	v0 =	vmov s25;
	v2 =	vadd.s32 v18, v37;
	v59 =	vld [tilespmem:s23+$0x30]  }
0x103: {  	[tilespmem:v55+s16+$0x0] =	vst.idx.msk $0xffff, v39;
	v0 =	vshrl.u32 v0, $0x3  }
0x104: {  	v35 =	vadd.s32 v24, v35;
	v0 =	vshll.u32 v0, v1;
	v62 =	vmul.f32 $8.000000000e+00, v56;
	v56 =	vld [tilespmem:s23+$0x70]  }
0x105: {  	[tilespmem:v51+s16+$0x0] =	vst.idx.msk $0xffff, v40;
	v40 =	vbroadcast v0, $0x0;
	v0 =	vmul.f32 $8.000000000e+00, v49  }
0x106: {  	v33 =	vadd.s32 v20, v33;
	v3 =	vld [tilespmem:$0x1FF30];
	v63 =	vmul.f32 $8.000000000e+00, v50  }
0x107: {  	[tilespmem:v2+s16+$0x0] =	vst.idx.msk $0xffff, v0;
	v0 =	vmul.f32 $8.000000000e+00, v59  }
0x108: {  	v58 =	vld [tilespmem:s23+$0xB0];
	s23 =	sadd.s32 $0x200, s23;
	[tilespmem:v48+s16+$0x0] =	vst.idx.msk $0xffff, v63  }
0x109: {  	v36 =	vadd.s32 v28, v36;
	v39 =	vmovc v38;
	v38 =	vld [tilespmem:s23+$0xFFFFFF00];
	[tilespmem:v35+s16+$0x0] =	vst.idx.msk $0xffff, v0;
	v35 =	vbroadcast v46, $0x0;
	v59 =	vmul.f32 $8.000000000e+00, v56  }
0x10a: {  	v57 =	vmul.f32 $8.000000000e+00, v52;
	[tilespmem:v53+s16+$0x0] =	vst.idx.msk $0xffff, v62  }
0x10b: {  	v2 =	vadd.s32 v4, v39;
	[tilespmem:v33+s16+$0x0] =	vst.idx.msk $0xffff, v59;
	v33 =	vbroadcast v43, $0x0;
	v43 =	vadd.s32 v3, v35;
	v3 =	vld [tilespmem:$0x1FF50]  }
0x10c: {  	v60 =	vmul.f32 $8.000000000e+00, v54;
	[tilespmem:v41+s16+$0x0] =	vst.idx.msk $0xffff, v57;
	v53 =	vld [tilespmem:s23+$0xC0]  }
0x10d: {  	v34 =	vadd.s32 v19, v34;
	v49 =	vld [tilespmem:s23+$0xFFFFFF40]  }
0x10e: {  	v61 =	vadd.s32 v32, v40;
	v41 =	vbroadcast v47, $0x0;
	[tilespmem:v36+s16+$0x0] =	vst.idx.msk $0xffff, v60;
	v62 =	vld [tilespmem:s23+$0xFFFFFF80];
	v38 =	vmul.f32 $8.000000000e+00, v38  }
0x10f: {  	v37 =	vbroadcast v44, $0x0;
	v36 =	vbroadcast v45, $0x0;
	v63 =	vld [tilespmem:s23+$0xFFFFFFC0]  }
0x110: {  	v60 =	vadd.s32 v7, v41;
	v0 =	vmul.f32 $8.000000000e+00, v58;
	[tilespmem:v2+s16+$0x0] =	vst.idx.msk $0xffff, v38;
	v38 =	vadd.s32 v3, v33;
	v3 =	vld [tilespmem:$0x1FF70]  }
0x111: {  	v45 =	vadd.s32 v11, v37;
	v56 =	vld [tilespmem:s23+$0x0];
	v57 =	vmul.f32 $8.000000000e+00, v53  }
0x112: {  	v42 =	vshll.u32 v42, v1;
	v58 =	vadd.s32 v15, v36;
	[tilespmem:v34+s16+$0x0] =	vst.idx.msk $0xffff, v0;
	v59 =	vld [tilespmem:s23+$0x40]  }
0x113: {  	s31 =	sadd.s32 $0x1, s24;
	s28 =	sadd.s32 $0x3, s24;
	v34 =	vbroadcast v42, $0x0;
	v0 =	vmul.f32 $8.000000000e+00, v49;
	v49 =	vld [tilespmem:s23+$0x80];
	[tilespmem:v61+s16+$0x0] =	vst.idx.msk $0xffff, v57  }
0x114: {  	s26 =	sadd.s32 $0x2, s24;
	v44 =	vmov s28;
	v50 =	vmov s31;
	v2 =	vmul.f32 $8.000000000e+00, v62;
	v46 =	vld [tilespmem:s23+$0xD0]  }
0x115: {  	v52 =	vmov s26;
	[tilespmem:v60+s16+$0x0] =	vst.idx.msk $0xffff, v0;
	v0 =	vmul.f32 $8.000000000e+00, v63;
	v62 =	vld [tilespmem:s23+$0xFFFFFF10];
	v63 =	vadd.s32 v3, v34  }
0x116: {  	v61 =	vmov s24;
	v60 =	vld [tilespmem:s23+$0xFFFFFF50];
	[tilespmem:v45+s16+$0x0] =	vst.idx.msk $0xffff, v2;
	v2 =	vmul.f32 $8.000000000e+00, v56;
	v45 =	vadd.s32 v29, v40  }
0x117: {  	v54 =	vadd.s32 v23, v39;
	v42 =	vshrl.u32 v61, $0x3;
	[tilespmem:v58+s16+$0x0] =	vst.idx.msk $0xffff, v0;
	v61 =	vld [tilespmem:s23+$0xFFFFFF90];
	v0 =	vmul.f32 $8.000000000e+00, v59  }
0x118: {  	v50 =	vshrl.u32 v50, $0x3;
	v53 =	vadd.s32 v8, v41;
	v56 =	vld [tilespmem:s23+$0xFFFFFFD0];
	[tilespmem:v43+s16+$0x0] =	vst.idx.msk $0xffff, v2;
	v2 =	vmul.f32 $8.000000000e+00, v49  }
0x119: {  	v52 =	vshrl.u32 v52, $0x3;
	v49 =	vadd.s32 v12, v37;
	v57 =	vld [tilespmem:s23+$0x10];
	[tilespmem:v38+s16+$0x0] =	vst.idx.msk $0xffff, v0;
	v0 =	vmul.f32 $8.000000000e+00, v46  }
0x11a: {  	v47 =	vadd.s32 v16, v36;
	v48 =	vadd.s32 v9, v41;
	v62 =	vmul.f32 $8.000000000e+00, v62;
	v58 =	vld [tilespmem:s23+$0x50];
	[tilespmem:v63+s16+$0x0] =	vst.idx.msk $0xffff, v2  }
0x11b: {  	s29 =	sadd.s32 $0x4, s24;
	v41 =	vadd.s32 v10, v41;
	[tilespmem:v45+s16+$0x0] =	vst.idx.msk $0xffff, v0;
	v63 =	vmul.f32 $8.000000000e+00, v60;
	v60 =	vadd.s32 v25, v35;
	v59 =	vld [tilespmem:s23+$0x90]  }
0x11c: {  	v43 =	vmov s29;
	[tilespmem:v54+s16+$0x0] =	vst.idx.msk $0xffff, v62;
	v61 =	vmul.f32 $8.000000000e+00, v61;
	v45 =	vadd.s32 v27, v33;
	v46 =	vld [tilespmem:s23+$0xE0]  }
0x11d: {  	s30 =	sadd.s32 $0x5, s24;
	v43 =	vshrl.u32 v43, $0x3;
	v62 =	vmul.f32 $8.000000000e+00, v56;
	v54 =	vld [tilespmem:s23+$0xFFFFFF20];
	[tilespmem:v53+s16+$0x0] =	vst.idx.msk $0xffff, v63;
	v53 =	vadd.s32 v14, v34  }
0x11e: {  	v38 =	vmov s30;
	[tilespmem:v49+s16+$0x0] =	vst.idx.msk $0xffff, v61;
	v49 =	vadd.s32 v31, v40;
	v63 =	vmul.f32 $8.000000000e+00, v57;
	v55 =	vld [tilespmem:s23+$0xFFFFFF60]  }
0x11f: {  	s31 =	sadd.s32 $0x6, s24;
	[tilespmem:v47+s16+$0x0] =	vst.idx.msk $0xffff, v62;
	v56 =	vld [tilespmem:s23+$0xFFFFFFA0];
	v47 =	vmul.f32 $8.000000000e+00, v58;
	v57 =	vshrl.u32 v44, $0x3;
	v44 =	vadd.s32 v5, v39  }
0x120: {  	v0 =	vshll.u32 v42, v1;
	v2 =	vmov s31;
	v58 =	vld [tilespmem:s23+$0xFFFFFFE0];
	[tilespmem:v60+s16+$0x0] =	vst.idx.msk $0xffff, v63;
	v51 =	vmul.f32 $8.000000000e+00, v59  }
0x121: {  	v42 =	vshrl.u32 v2, $0x3;
	[tilespmem:v45+s16+$0x0] =	vst.idx.msk $0xffff, v47;
	v45 =	vmul.f32 $8.000000000e+00, v46;
	v60 =	vadd.s32 v13, v37;
	v61 =	vld [tilespmem:s23+$0x20]  }
0x122: {  	v2 =	vmul.f32 $8.000000000e+00, v54;
	v54 =	vadd.s32 v17, v36;
	v62 =	vld [tilespmem:s23+$0x60];
	v63 =	vadd.s32 v22, v35;
	[tilespmem:v53+s16+$0x0] =	vst.idx.msk $0xffff, v51  }
0x123: {  	p0 =	slt.u32 s24, $0x78;
	[tilespmem:v49+s16+$0x0] =	vst.idx.msk $0xffff, v45;
	v59 =	vshrl.u32 v38, $0x3;
	v38 =	vbroadcast v0, $0x0;
	v0 =	vmul.f32 $8.000000000e+00, v55;
	v3 =	vld [tilespmem:s23+$0xA0]  }
.Ltmp2:
0x124: {  	v47 =	vshll.u32 v50, v1;
	v46 =	vshll.u32 v43, v1;
	[tilespmem:v44+s16+$0x0] =	vst.idx.msk $0xffff, v2;
	v2 =	vmul.f32 $8.000000000e+00, v56;
	v56 =	vld [tilespmem:s23+$0xF0];
	(pc) =	sbr.rel @p0 .LBB2_7-.Ltmp2, $4  }
0x125: {  	v45 =	vshll.u32 v57, v1;
	v44 =	vshll.u32 v52, v1;
	v50 =	vld [tilespmem:s23+$0xFFFFFF30];
	[tilespmem:v48+s16+$0x0] =	vst.idx.msk $0xffff, v0;
	v0 =	vmul.f32 $8.000000000e+00, v58  }
0x126: {  	v43 =	vshll.u32 v59, v1;
	v55 =	vadd.s32 v26, v33;
	[tilespmem:v60+s16+$0x0] =	vst.idx.msk $0xffff, v2;
	v52 =	vld [tilespmem:s23+$0xFFFFFF70];
	v2 =	vmul.f32 $8.000000000e+00, v61  }
0x127: {  	v51 =	vadd.s32 v30, v34;
	v53 =	vadd.s32 v21, v40;
	v49 =	vld [tilespmem:s23+$0xFFFFFFB0];
	[tilespmem:v54+s16+$0x0] =	vst.idx.msk $0xffff, v0  }
0x128: {  	s25 =	sadd.s32 $0x7, s24;
	s24 =	sadd.s32 $0x8, s24;
	v48 =	vadd.s32 v6, v39;
	v39 =	vmul.f32 $8.000000000e+00, v62;
	v54 =	vld [tilespmem:s23+$0xFFFFFFF0];
	[tilespmem:v63+s16+$0x0] =	vst.idx.msk $0xffff, v2;
	v40 =	vmul.f32 $8.000000000e+00, v3  }
0x129: {  	_ =	sdelay $0x3  }
0x12a: {  	v2 =	vadd.s32 v18, v37;
	v3 =	vld [tilespmem:s23+$0x30];
	v37 =	vmul.f32 $8.000000000e+00, v56;
	[tilespmem:v55+s16+$0x0] =	vst.idx.msk $0xffff, v39  }
0x12b: {  	v36 =	vadd.s32 v28, v36;
	v55 =	vmul.f32 $8.000000000e+00, v50;
	[tilespmem:v51+s16+$0x0] =	vst.idx.msk $0xffff, v40;
	v50 =	vld [tilespmem:s23+$0x70]  }
0x12c: {  	v35 =	vadd.s32 v24, v35;
	v63 =	vmul.f32 $8.000000000e+00, v52;
	v51 =	vld [tilespmem:s23+$0xB0];
	[tilespmem:v53+s16+$0x0] =	vst.idx.msk $0xffff, v37  }
0x12d: {  	v0 =	vmov s25;
	v33 =	vadd.s32 v20, v33;
	[tilespmem:v48+s16+$0x0] =	vst.idx.msk $0xffff, v55;
	v56 =	vmul.f32 $8.000000000e+00, v49  }
0x12e: {  	v34 =	vadd.s32 v19, v34;
	v0 =	vshrl.u32 v0, $0x3;
	[tilespmem:v41+s16+$0x0] =	vst.idx.msk $0xffff, v63;
	v59 =	vmul.f32 $8.000000000e+00, v54  }
0x12f: {  	s25 =	sadd.s32 $0x200, s23;
	v0 =	vshll.u32 v0, v1;
	[tilespmem:v2+s16+$0x0] =	vst.idx.msk $0xffff, v56;
	v2 =	vmul.f32 $8.000000000e+00, v3  }
0x130: {  	v37 =	vld [tilespmem:s25+$0xC0];
	v0 =	vbroadcast v0, $0x0;
	[tilespmem:v36+s16+$0x0] =	vst.idx.msk $0xffff, v59;
	v63 =	vmul.f32 $8.000000000e+00, v50  }
0x131: {  	v58 =	vld [tilespmem:s25+$0xFFFFFF00];
	[tilespmem:v35+s16+$0x0] =	vst.idx.msk $0xffff, v2;
	v2 =	vmul.f32 $8.000000000e+00, v51  }
0x132: {  	v49 =	vadd.s32 v32, v0;
	[tilespmem:v33+s16+$0x0] =	vst.idx.msk $0xffff, v63  }
0x133: {  	v3 =	vadd.s32 v4, v38;
	[tilespmem:v34+s16+$0x0] =	vst.idx.msk $0xffff, v2  }
0x134: {  	v52 =	vmov v20;
	v20 =	vmov v19;
	v19 =	vmov v4;
	v4 =	vld [tilespmem:$0x1FF30]  }
0x135: {  	v37 =	vmul.f32 $8.000000000e+00, v37  }
0x136: {  	v47 =	vbroadcast v47, $0x0;
	v61 =	vld [tilespmem:s25+$0xFFFFFF40];
	v55 =	vmul.f32 $8.000000000e+00, v58  }
0x137: {  	v46 =	vbroadcast v46, $0x0;
	[tilespmem:v49+s16+$0x0] =	vst.idx.msk $0xffff, v37  }
0x138: {  	v62 =	vld [tilespmem:s25+$0xFFFFFF80];
	v40 =	vadd.s32 v7, v47;
	[tilespmem:v3+s16+$0x0] =	vst.idx.msk $0xffff, v55  }
0x139: {  	v59 =	vadd.s32 v4, v46;
	v4 =	vld [tilespmem:$0x1FF50];
	_ =	sdelay $0x1  }
0x13a: {  	v2 =	vmul.f32 $8.000000000e+00, v61  }
0x13b: {  	v43 =	vbroadcast v43, $0x0  }
0x13c: {  	v44 =	vbroadcast v44, $0x0;
	v50 =	vld [tilespmem:s25+$0xFFFFFFC0];
	[tilespmem:v40+s16+$0x0] =	vst.idx.msk $0xffff, v2  }
0x13d: {  	v45 =	vbroadcast v45, $0x0;
	v3 =	vmul.f32 $8.000000000e+00, v62;
	v62 =	vadd.s32 v4, v43;
	v4 =	vld [tilespmem:$0x1FF70]  }
0x13e: {  	v35 =	vadd.s32 v11, v44;
	v51 =	vld [tilespmem:s25+$0x0]  }
0x13f: {  	v42 =	vshll.u32 v42, v1;
	v56 =	vadd.s32 v15, v45;
	v58 =	vld [tilespmem:s25+$0x40]  }
0x140: {  	v42 =	vbroadcast v42, $0x0;
	v61 =	vld [tilespmem:s25+$0x80]  }
0x141: {  	v37 =	vld [tilespmem:s25+$0xD0]  }
0x142: {  	v63 =	vld [tilespmem:s25+$0xFFFFFF10];
	v2 =	vmul.f32 $8.000000000e+00, v50;
	v40 =	vadd.s32 v4, v42  }
0x143: {  	v49 =	vld [tilespmem:s25+$0xFFFFFF50];
	[tilespmem:v35+s16+$0x0] =	vst.idx.msk $0xffff, v3;
	v3 =	vmul.f32 $8.000000000e+00, v51;
	v35 =	vadd.s32 v29, v0  }
0x144: {  	v50 =	vadd.s32 v23, v38;
	[tilespmem:v56+s16+$0x0] =	vst.idx.msk $0xffff, v2;
	v2 =	vmul.f32 $8.000000000e+00, v58;
	v51 =	vld [tilespmem:s25+$0xFFFFFF90]  }
0x145: {  	v36 =	vadd.s32 v8, v47;
	v48 =	vld [tilespmem:s25+$0xFFFFFFD0];
	[tilespmem:v59+s16+$0x0] =	vst.idx.msk $0xffff, v3;
	v3 =	vmul.f32 $8.000000000e+00, v61  }
0x146: {  	v34 =	vadd.s32 v12, v44;
	v41 =	vld [tilespmem:s25+$0x10];
	[tilespmem:v62+s16+$0x0] =	vst.idx.msk $0xffff, v2;
	v2 =	vmul.f32 $8.000000000e+00, v37  }
0x147: {  	v53 =	vmul.f32 $8.000000000e+00, v63;
	v56 =	vadd.s32 v16, v45;
	v59 =	vld [tilespmem:s25+$0x50];
	[tilespmem:v40+s16+$0x0] =	vst.idx.msk $0xffff, v3  }
0x148: {  	[tilespmem:v35+s16+$0x0] =	vst.idx.msk $0xffff, v2;
	v3 =	vmul.f32 $8.000000000e+00, v49;
	v40 =	vadd.s32 v25, v46;
	v63 =	vld [tilespmem:s25+$0x90]  }
0x149: {  	[tilespmem:v50+s16+$0x0] =	vst.idx.msk $0xffff, v53;
	v62 =	vadd.s32 v27, v43;
	v2 =	vmul.f32 $8.000000000e+00, v51;
	v35 =	vld [tilespmem:s25+$0xE0]  }
0x14a: {  	v50 =	vld [tilespmem:s25+$0xFFFFFF20];
	[tilespmem:v36+s16+$0x0] =	vst.idx.msk $0xffff, v3;
	v3 =	vmul.f32 $8.000000000e+00, v48;
	v36 =	vadd.s32 v14, v42  }
0x14b: {  	[tilespmem:v34+s16+$0x0] =	vst.idx.msk $0xffff, v2;
	v2 =	vmul.f32 $8.000000000e+00, v41;
	v34 =	vadd.s32 v31, v0;
	v48 =	vld [tilespmem:s25+$0xFFFFFF60]  }
0x14c: {  	v41 =	vadd.s32 v5, v38;
	v51 =	vld [tilespmem:s25+$0xFFFFFFA0];
	[tilespmem:v56+s16+$0x0] =	vst.idx.msk $0xffff, v3;
	v3 =	vmul.f32 $8.000000000e+00, v59  }
0x14d: {  	v37 =	vadd.s32 v9, v47;
	v39 =	vld [tilespmem:s25+$0xFFFFFFE0];
	[tilespmem:v40+s16+$0x0] =	vst.idx.msk $0xffff, v2;
	v2 =	vmul.f32 $8.000000000e+00, v63  }
0x14e: {  	v40 =	vadd.s32 v13, v44;
	v49 =	vld [tilespmem:s25+$0x20];
	[tilespmem:v62+s16+$0x0] =	vst.idx.msk $0xffff, v3;
	v3 =	vmul.f32 $8.000000000e+00, v35  }
0x14f: {  	v33 =	vmul.f32 $8.000000000e+00, v50;
	v35 =	vadd.s32 v17, v45;
	v50 =	vld [tilespmem:s25+$0x60];
	[tilespmem:v36+s16+$0x0] =	vst.idx.msk $0xffff, v2  }
0x150: {  	v2 =	vmul.f32 $8.000000000e+00, v48;
	v36 =	vadd.s32 v22, v46;
	[tilespmem:v34+s16+$0x0] =	vst.idx.msk $0xffff, v3;
	v48 =	vld [tilespmem:s25+$0xA0]  }
0x151: {  	[tilespmem:v41+s16+$0x0] =	vst.idx.msk $0xffff, v33;
	v63 =	vadd.s32 v26, v43;
	v3 =	vmul.f32 $8.000000000e+00, v51;
	v34 =	vld [tilespmem:s25+$0xF0]  }
0x152: {  	v41 =	vld [tilespmem:s25+$0xFFFFFF30];
	[tilespmem:v37+s16+$0x0] =	vst.idx.msk $0xffff, v2;
	v2 =	vmul.f32 $8.000000000e+00, v39;
	v37 =	vadd.s32 v30, v42  }
0x153: {  	v0 =	vadd.s32 v21, v0;
	[tilespmem:v40+s16+$0x0] =	vst.idx.msk $0xffff, v3;
	v39 =	vld [tilespmem:s25+$0xFFFFFF70];
	v3 =	vmul.f32 $8.000000000e+00, v49  }
0x154: {  	v38 =	vadd.s32 v6, v38;
	v40 =	vld [tilespmem:s25+$0xFFFFFFB0];
	[tilespmem:v35+s16+$0x0] =	vst.idx.msk $0xffff, v2;
	v2 =	vmul.f32 $8.000000000e+00, v50  }
0x155: {  	v35 =	vadd.s32 v10, v47;
	v47 =	vld [tilespmem:s25+$0xFFFFFFF0];
	[tilespmem:v36+s16+$0x0] =	vst.idx.msk $0xffff, v3;
	v3 =	vmul.f32 $8.000000000e+00, v48  }
0x156: {  	v60 =	vmov v28;
	v36 =	vadd.s32 v18, v44;
	v44 =	vld [tilespmem:s25+$0x30];
	[tilespmem:v63+s16+$0x0] =	vst.idx.msk $0xffff, v2;
	v2 =	vmul.f32 $8.000000000e+00, v34  }
0x157: {  	v57 =	vmov v24;
	v45 =	vadd.s32 v60, v45;
	v63 =	vmul.f32 $8.000000000e+00, v41;
	v48 =	vld [tilespmem:s25+$0x70];
	[tilespmem:v37+s16+$0x0] =	vst.idx.msk $0xffff, v3  }
0x158: {  	v50 =	vadd.s32 v57, v46;
	v3 =	vmul.f32 $8.000000000e+00, v39;
	[tilespmem:v0+s16+$0x0] =	vst.idx.msk $0xffff, v2;
	v51 =	vld [tilespmem:s25+$0xB0]  }
0x159: {  	[tilespmem:v38+s16+$0x0] =	vst.idx.msk $0xffff, v63;
	v0 =	vmul.f32 $8.000000000e+00, v40;
	v2 =	vadd.s32 v52, v43  }
0x15a: {  	v63 =	vadd.s32 v20, v42;
	[tilespmem:v35+s16+$0x0] =	vst.idx.msk $0xffff, v3;
	v3 =	vmul.f32 $8.000000000e+00, v47  }
0x15b: {  	[tilespmem:v36+s16+$0x0] =	vst.idx.msk $0xffff, v0;
	v0 =	vmul.f32 $8.000000000e+00, v44  }
0x15c: {  	[tilespmem:v45+s16+$0x0] =	vst.idx.msk $0xffff, v3;
	v3 =	vmul.f32 $8.000000000e+00, v48  }
0x15d: {  	[tilespmem:v50+s16+$0x0] =	vst.idx.msk $0xffff, v0;
	v0 =	vmul.f32 $8.000000000e+00, v51  }
0x15e: {  	[tilespmem:v2+s16+$0x0] =	vst.idx.msk $0xffff, v3  }
0x15f: {  	s21 =	sadd.s32 @!p1 $0x180, s21;
	s24 =	simm.s32 @!p1 $0x8400;
	s23 =	simm.s32 @!p1 $0x80;
	[tilespmem:v63+s16+$0x0] =	vst.idx.msk $0xffff, v0  }
0x160: {  	[tilespmem:s24], [sflag:$0x2] =	stream.indirect.gather @!p1 [hbm4b:s4+s23], $0x40, s21, s23, $0xb8;
	[tilespmem:$0xE800] =	vst v63  }
0x161: {  	s22 =	sadd.s32 s22, s7;
	s26 =	simm.s32 $0xC600  }
0x162: {  	[hbm4b:s22+s3] =	stream.linear.scatter [tilespmem:s26], [sflag:$0x4], $0x80, $0x38;
	[tilespmem:$0xE800] =	vst v63  }
0x163: {  	s28 =	simm.s32 $0xC688;
	s29 =	sadd.s32 $0x10, s22  }
0x164: {  	[hbm4b:s29+s3] =	stream.linear.scatter [tilespmem:s28], [sflag:$0x4], $0x80, $0x38;
	[tilespmem:$0xE800] =	vst v63  }
0x165: {  	s30 =	simm.s32 $0xC710;
	s31 =	sadd.s32 $0x20, s22;
	s25 =	simm.s32 $0xC820  }
0x166: {  	[hbm4b:s31+s3] =	stream.linear.scatter [tilespmem:s30], [sflag:$0x4], $0x80, $0x38;
	[tilespmem:$0xE800] =	vst v63  }
0x167: {  	s23 =	simm.s32 $0xC798;
	s24 =	sadd.s32 $0x30, s22;
	s21 =	simm.s32 $0x440  }
0x168: {  	[hbm4b:s24+s3] =	stream.linear.scatter [tilespmem:s23], [sflag:$0x4], $0x80, $0x38;
	[tilespmem:$0xE800] =	vst v63  }
0x169: {  	s26 =	sadd.s32 $0x40, s22;
	s28 =	simm.s32 $0xC8A8;
	s29 =	sadd.s32 $0x50, s22  }
0x16a: {  	[hbm4b:s26+s3] =	stream.linear.scatter [tilespmem:s25], [sflag:$0x4], $0x80, $0x38;
	[tilespmem:$0xE800] =	vst v63  }
0x16b: {  	v28 =	vmovc v11;
	v24 =	vmovc v15;
	v54 =	vmov v7;
	v55 =	vmov v8;
	v8 =	vmov v60;
	s30 =	simm.s32 $0xC930;
	s31 =	sadd.s32 $0x60, s22;
	s23 =	simm.s32 $0x2200  }
0x16c: {  	v58 =	vmovc v12;
	v53 =	vmovc v5;
	v12 =	vmov v23;
	v61 =	vmov v16;
	v4 =	vmov v29;
	[hbm4b:s29+s3] =	stream.linear.scatter [tilespmem:s28], [sflag:$0x4], $0x80, $0x38;
	[tilespmem:$0xE800] =	vst v63  }
0x16d: {  	v29 =	vmovc v14;
	v16 =	vmovc v4;
	v21 =	vmov v25;
	v25 =	vmov v27;
	v27 =	vmov v52;
	s24 =	simm.s32 $0xC9B8;
	s25 =	sadd.s32 $0x70, s22;
	s22 =	sadd.s32 $0x1000, s22  }
0x16e: {  	v56 =	vmovc v9;
	v59 =	vmovc v13;
	v62 =	vmov v17;
	v49 =	vmov v6;
	v3 =	vmov v31;
	[hbm4b:s31+s3] =	stream.linear.scatter [tilespmem:s30], [sflag:$0x4], $0x80, $0x38;
	[tilespmem:$0xE800] =	vst v63  }
.LBB2_9:
0x16f: {  	[hbm4b:s25+s3] =	stream.linear.scatter [tilespmem:s24], [sflag:$0x4], $0x80, $0x38;
	[tilespmem:$0xE800] =	vst v63  }
0x170: {  	s24 =	smov.u32 s21;
	s21 =	smov.u32 s23  }
0x171: {  	s26 =	sadd.s32 $0x1100, s23;
	s21 =	sshra.s32 s21, $0x2;
	s25 =	sadd.s32 $0xC600, s24  }
0x172: {  	[hbm4b:s22+s3] =	stream.linear.scatter [tilespmem:s25], [sflag:$0x4], $0x80, $0x38;
	[tilespmem:$0xE800] =	vst v63  }
0x173: {  	p0 =	sne.s32 s23, $0x7700;
	s23 =	sadd.s32 $0xC688, s24;
	s25 =	sadd.s32 $0x10, s22  }
0x174: {  	[hbm4b:s25+s3] =	stream.linear.scatter [tilespmem:s23], [sflag:$0x4], $0x80, $0x38;
	[tilespmem:$0xE800] =	vst v63  }
0x175: {  	s23 =	sadd.s32 $0xC710, s24;
	s25 =	sadd.s32 $0x20, s22  }
0x176: {  	[hbm4b:s25+s3] =	stream.linear.scatter [tilespmem:s23], [sflag:$0x4], $0x80, $0x38;
	[tilespmem:$0xE800] =	vst v63  }
0x177: {  	s23 =	sadd.s32 $0xC798, s24;
	s25 =	sadd.s32 $0x30, s22  }
0x178: {  	[hbm4b:s25+s3] =	stream.linear.scatter [tilespmem:s23], [sflag:$0x4], $0x80, $0x38;
	[tilespmem:$0xE800] =	vst v63  }
0x179: {  	s23 =	sadd.s32 $0xC820, s24;
	s25 =	sadd.s32 $0x40, s22  }
0x17a: {  	[hbm4b:s25+s3] =	stream.linear.scatter [tilespmem:s23], [sflag:$0x4], $0x80, $0x38;
	[tilespmem:$0xE800] =	vst v63  }
.Ltmp3:
0x17b: {  	s23 =	sadd.s32 $0xC8A8, s24;
	s25 =	sadd.s32 $0x50, s22;
	(pc) =	sbr.rel @p0 .LBB2_9-.Ltmp3, $4  }
0x17c: {  	[hbm4b:s25+s3] =	stream.linear.scatter [tilespmem:s23], [sflag:$0x4], $0x80, $0x38;
	[tilespmem:$0xE800] =	vst v63  }
0x17d: {  	s23 =	sadd.s32 $0xC930, s24;
	s25 =	sadd.s32 $0x60, s22;
	s24 =	sadd.s32 $0xC9B8, s24  }
0x17e: {  	[hbm4b:s25+s3] =	stream.linear.scatter [tilespmem:s23], [sflag:$0x4], $0x80, $0x38;
	[tilespmem:$0xE800] =	vst v63  }
0x17f: {  	s25 =	sadd.s32 $0x70, s22;
	s22 =	sadd.s32 $0x1000, s22;
	s23 =	smov.u32 s26  }
0x180: {  	[hbm4b:s25+s3] =	stream.linear.scatter [tilespmem:s24], [sflag:$0x4], $0x80, $0x38;
	[tilespmem:$0xE800] =	vst v63  }
0x181: {  	s23 =	sadd.s32 $0xC600, s21  }
0x182: {  	[hbm4b:s22+s3] =	stream.linear.scatter [tilespmem:s23], [sflag:$0x4], $0x80, $0x38;
	[tilespmem:$0xE800] =	vst v63  }
0x183: {  	s30 =	sadd.s32 $0xC688, s21;
	s31 =	sadd.s32 $0x10, s22  }
0x184: {  	[hbm4b:s31+s3] =	stream.linear.scatter [tilespmem:s30], [sflag:$0x4], $0x80, $0x38;
	[tilespmem:$0xE800] =	vst v63  }
0x185: {  	s25 =	sadd.s32 $0xC710, s21;
	s26 =	sadd.s32 $0x20, s22  }
0x186: {  	[hbm4b:s26+s3] =	stream.linear.scatter [tilespmem:s25], [sflag:$0x4], $0x80, $0x38;
	[tilespmem:$0xE800] =	vst v63  }
0x187: {  	s28 =	sadd.s32 $0xC798, s21;
	s29 =	sadd.s32 $0x30, s22  }
0x188: {  	[hbm4b:s29+s3] =	stream.linear.scatter [tilespmem:s28], [sflag:$0x4], $0x80, $0x38;
	[tilespmem:$0xE800] =	vst v63  }
0x189: {  	s20 =	sadd.s32 $0x1, s20;
	s30 =	sadd.s32 $0xC820, s21;
	s31 =	sadd.s32 $0x40, s22  }
0x18a: {  	[hbm4b:s31+s3] =	stream.linear.scatter [tilespmem:s30], [sflag:$0x4], $0x80, $0x38;
	[tilespmem:$0xE800] =	vst v63  }
0x18b: {  	v32 =	vld [tilespmem:$0x1FF20];
	p0 =	sne.s32 s20, $0x64;
	s25 =	sadd.s32 $0xC8A8, s21;
	s26 =	sadd.s32 $0x50, s22  }
0x18c: {  	v26 =	vld [tilespmem:$0x1FF30];
	[hbm4b:s26+s3] =	stream.linear.scatter [tilespmem:s25], [sflag:$0x4], $0x80, $0x38  }
.Ltmp4:
0x18d: {  	v63 =	vmov v19;
	v19 =	vld [tilespmem:$0x1FF40];
	(pc) =	sbr.rel @p0 .LBB2_2-.Ltmp4, $4  }
0x18e: {  	v30 =	vld [tilespmem:$0x1FF50];
	s28 =	sadd.s32 $0xC930, s21;
	s29 =	sadd.s32 $0x60, s22  }
0x18f: {  	v14 =	vld [tilespmem:$0x1FF60];
	[hbm4b:s29+s3] =	stream.linear.scatter [tilespmem:s28], [sflag:$0x4], $0x80, $0x38  }
0x190: {  	v5 =	vmov v53;
	v2 =	vmov v49;
	v9 =	vmov v55;
	v18 =	vld [tilespmem:$0x1FF70];
	s30 =	sadd.s32 $0xC9B8, s21;
	s31 =	sadd.s32 $0x70, s22  }
0x191: {  	v17 =	vmovc v56;
	v7 =	vmovc v58;
	v22 =	vmov v59;
	v60 =	vmov v24;
	v13 =	vmov v61;
	v15 =	vld [tilespmem:$0x1FF90];
	[hbm4b:s31+s3] =	stream.linear.scatter [tilespmem:s30], [sflag:$0x4], $0x80, $0x38  }
0x192: {  	s19 =	sadd.s32 $0x1, s19  }
0x193: {  	_ =	swait.ge [sflag:s17], $0x2000;
	p0 =	sne.s32 s19, s8  }
.Ltmp5:
0x194: {  	[sflag:s17] =	ssyncset.done $0x0;
	(pc) =	sbr.rel @p0 .LBB2_1-.Ltmp5, $4  }
0x195: {  	[sflag:s17] =	ssyncadd.s32 $0xFFFFE000  }
0x196: {  	_ =	swait.ge [sflag:s18], $0x2000  }
0x197: {  	[sflag:s18] =	ssyncset.done $0x0  }
0x198: {  	[sflag:s18] =	ssyncadd.s32 $0xFFFFE000  }
0x199: {  	_ =	sfence.sel $0x180000  }
0x19a: {  	[bflag:$0x0] =	sbarrier.arrive $0xFFFF  }
0x19b: {  	p0 =	sne.s32 s0, $0x0;
	_ =	strace $0x90000047  }
0x19c: {  	s0 =	sadd.s32 @!p0 $0x100000, s2;
	[bflag:$0x2] =	sbarrier.arrive $0xFFFF  }
0x19d: {  	[sflag:s0] =	ssyncadd.tile.s32 @!p0 $0x1;
	_ =	shalt  }
.Lfunc_end2:
_tile_overlayer_lowered:
.L_overlay_start_2:
0x19e: {  	(tag) =	ssettag $0x2  }
0x19f: {  	s0 =	rddreg [dreg:$0x0];
	s2 =	stileid.u32  }
0x1a0: {  	s1 =	rddreg [dreg:$0x1];
	p0 =	sne.s32 s2, $0x0  }
0x1a1: {  	s3 =	rddreg [dreg:$0x2];
	[bflag:$0x3] =	sbarrier.arrive $0xFFFF;
	s2 =	simm.s32 @!p0 $0x1C05  }
0x1a2: {  	[timem:s3], [sflag:s2] =	dma.local @!p0 [hbm:s0], s1  }
0x1a3: {  	s0 =	simm.s32 @!p0 $0x5  }
0x1a4: {  	_ =	swait.ge @!p0 [sflag:s0], s1  }
0x1a5: {  	s1 =	ssub.s32 @!p0 $0x0, s1;
	[sflag:s0] =	ssyncset.done @!p0 $0x0  }
0x1a6: {  	[sflag:s0] =	ssyncadd.s32 @!p0 s1  }
0x1a7: {  	[bflag:$0x3] =	sbarrier.arrive $0xFFFF  }
0x1a8: {  	_ =	shalt  }

</sc_bundles>
